<compile_context>
chip_gen: v7x
topology: tpu7x:2x2x1
jax: 0.10.2.dev20260603
libtpu: 0.0.44.dev20260713+nightly
codegen_flags: <defaults>
</compile_context>

<pallas_src>
import functools

import numpy as np
import jax
import jax.numpy as jnp
from jax import lax
from jax.experimental import pallas as pl
from jax.experimental.pallas import tpu as pltpu
from jax.experimental.pallas import tpu_sc as plsc

_NC = 2
_NS = 16
_NW = _NC * _NS
_L = 16
_K = 6


def _threefry_bits_np(seed, n):
    def rotl(x, r):
        return ((x << np.uint32(r)) | (x >> np.uint32(32 - r))).astype(np.uint32)
    ks0 = np.uint32(seed >> 32)
    ks1 = np.uint32(seed & 0xFFFFFFFF)
    ks2 = np.uint32(ks0 ^ ks1 ^ np.uint32(0x1BD11BDA))
    cnt = np.arange(n, dtype=np.uint64)
    x0 = (cnt >> np.uint64(32)).astype(np.uint32)
    x1 = (cnt & np.uint64(0xFFFFFFFF)).astype(np.uint32)
    x0 = (x0 + ks0).astype(np.uint32)
    x1 = (x1 + ks1).astype(np.uint32)
    rots = ((13, 15, 26, 6), (17, 29, 16, 24))
    inj = ((ks1, ks2), (ks2, ks0), (ks0, ks1), (ks1, ks2), (ks2, ks0))
    for i in range(5):
        for r in rots[i % 2]:
            x0 = (x0 + x1).astype(np.uint32)
            x1 = rotl(x1, r)
            x1 = (x1 ^ x0).astype(np.uint32)
        a, b = inj[i]
        x0 = (x0 + a).astype(np.uint32)
        x1 = (x1 + b + np.uint32(i + 1)).astype(np.uint32)
    return (x0 ^ x1).astype(np.uint32)


def _exp_gumbel_np(B):
    bits = _threefry_bits_np(42, B * _K)
    fl = ((bits >> np.uint32(9)) | np.uint32(0x3F800000)).view(np.float32)
    u = np.maximum(np.float32(np.finfo(np.float32).tiny),
                   (fl - np.float32(1.0)).astype(np.float32))
    l1 = np.log(np.float64(u)).astype(np.float32)
    g = (-np.log(np.float64(-l1))).astype(np.float32)
    eg = np.exp(np.float64(g)).astype(np.float32)
    bw = B // _NW
    return np.ascontiguousarray(
        eg.reshape(_NW, bw, _K).transpose(0, 2, 1).reshape(_NW, _K * bw))


_EG_CONST = {16384: _exp_gumbel_np(16384)}


@functools.lru_cache(maxsize=None)
def _build(B):
    bw = B // _NW
    nsteps = bw // _L
    mesh = plsc.VectorSubcoreMesh(core_axis_name="c", subcore_axis_name="s")

    @functools.partial(
        pl.kernel,
        out_type=jax.ShapeDtypeStruct((B * 7,), jnp.float32),
        mesh=mesh,
        compiler_params=pltpu.CompilerParams(needs_layout_passes=False),
        scratch_types=[
            pltpu.VMEM((bw * 2,), jnp.float32),
            pltpu.VMEM((bw * _K * 2,), jnp.float32),
            pltpu.VMEM((bw * _K,), jnp.float32),
            pltpu.VMEM((bw * _K,), jnp.float32),
            pltpu.VMEM((bw * _K,), jnp.float32),
            pltpu.VMEM((_K * bw,), jnp.float32),
            pltpu.VMEM((bw * 7,), jnp.float32),
            pltpu.SemaphoreType.DMA,
        ],
    )
    def policy(mpc_h, ha_h, al_h, alp_h, lg_h, eg_h, out_h,
               mpc_v, ha_v, al_v, alp_v, lg_v, eg_v, out_v, sem):
        wid = lax.axis_index("s") * _NC + lax.axis_index("c")
        base = wid * bw
        copies = [
            pltpu.async_copy(mpc_h.at[pl.ds(base * 2, bw * 2)], mpc_v, sem),
            pltpu.async_copy(ha_h.at[pl.ds(base * _K * 2, bw * _K * 2)], ha_v, sem),
            pltpu.async_copy(al_h.at[pl.ds(base * _K, bw * _K)], al_v, sem),
            pltpu.async_copy(alp_h.at[pl.ds(base * _K, bw * _K)], alp_v, sem),
            pltpu.async_copy(lg_h.at[pl.ds(base * _K, bw * _K)], lg_v, sem),
            pltpu.async_copy(eg_h.at[wid], eg_v, sem),
        ]
        for cp in copies:
            cp.wait()

        iota = lax.iota(jnp.int32, _L)

        def step(g, carry):
            rows = g * _L + iota
            rows6 = rows * _K
            lvals = [plsc.load_gather(lg_v, [rows6 + k]) for k in range(_K)]
            egs = [eg_v[pl.ds(k * bw + g * _L, _L)] for k in range(_K)]

            m = lvals[0]
            for k in range(1, _K):
                m = jnp.maximum(m, lvals[k])
            dvals = [lk - m for lk in lvals]
            evals = [jnp.exp(dk) for dk in dvals]
            ssum = evals[0]
            for k in range(1, _K):
                ssum = ssum + evals[k]
            r = 1.0 / ssum

            best = (evals[0] * r + 1e-12) * egs[0]
            kidx = jnp.zeros((_L,), jnp.int32)
            for k in range(1, _K):
                tk = (evals[k] * r + 1e-12) * egs[k]
                c = tk > best
                best = jnp.where(c, tk, best)
                kidx = jnp.where(c, k, kidx)

            pd = dvals[0] * evals[0]
            for k in range(1, _K):
                pd = pd + dvals[k] * evals[k]
            bits = plsc.bitcast(ssum, jnp.int32)
            e2 = lax.shift_right_arithmetic(bits, 23) - 127
            mm = plsc.bitcast(
                lax.bitwise_or(lax.bitwise_and(bits, 0x007FFFFF), 0x3F800000),
                jnp.float32)
            big = mm > 1.4142135
            mm = jnp.where(big, mm * 0.5, mm)
            e2 = jnp.where(big, e2 + 1, e2)
            z = (mm - 1.0) / (mm + 1.0)
            w = z * z
            poly = jnp.float32(1.0 / 9.0)
            for c_ in (1.0 / 7.0, 1.0 / 5.0, 1.0 / 3.0, 1.0):
                poly = poly * w + jnp.float32(c_)
            logs = 2.0 * z * poly + e2.astype(jnp.float32) * 0.69314718
            negent = r * pd - logs

            a_s = plsc.load_gather(al_v, [rows6 + kidx])
            alp_s = plsc.load_gather(alp_v, [rows6 + kidx])
            xy = rows6 * 2 + kidx * 2
            x_s = plsc.load_gather(ha_v, [xy])
            y_s = plsc.load_gather(ha_v, [xy + 1])
            rows2 = rows * 2
            mx = plsc.load_gather(mpc_v, [rows2])
            my = plsc.load_gather(mpc_v, [rows2 + 1])
            aex = mx * (1.0 - a_s) + a_s * x_s
            aey = my * (1.0 - a_s) + a_s * y_s

            rows7 = rows * 7
            cols = (aex, aey, negent, alp_s, x_s, y_s, a_s)
            for ci, v in enumerate(cols):
                plsc.store_scatter(out_v, [rows7 + ci], v)
            return carry

        lax.fori_loop(0, nsteps, step, 0)
        pltpu.sync_copy(out_v, out_h.at[pl.ds(base * 7, bw * 7)])

    return policy


def kernel(MPC_action, HA_actions, alphas, alpha_log_probs, logits):
    B = logits.shape[0]
    if B % (_NW * _L) != 0:
        raise ValueError(f"batch {B} must be divisible by {_NW * _L}")
    eg_np = _EG_CONST.get(B)
    if eg_np is None:
        eg_np = _exp_gumbel_np(B)
        _EG_CONST[B] = eg_np
    eg = jnp.asarray(eg_np)
    out_flat = _build(B)(
        jnp.reshape(MPC_action, (B * 2,)),
        jnp.reshape(HA_actions, (B * _K * 2,)),
        jnp.reshape(alphas, (B * _K,)),
        jnp.reshape(alpha_log_probs, (B * _K,)),
        jnp.reshape(logits, (B * _K,)),
        eg,
    )
    return jnp.reshape(out_flat, (B, 7))

# --- scband reference (transcript-rebuilt; emitter-appended) ---
"""Pipeline reference for scband-policy-43061342110246 (READ-ONLY COPY).

The authoritative reference and input builder live on the scoring server;
editing this copy changes nothing except your own understanding.
"""

import jax, jax.numpy as jnp
import numpy as np


def setup_inputs(seed: int = 0) -> dict:
    key = jax.random.key(seed)
    ks = jax.random.split(key, 5)
    B = 16384
    return {
        "MPC_action": jax.random.uniform(ks[0], (B, 2), dtype=jnp.float32),
        "HA_actions": jax.random.uniform(ks[1], (B, 6, 2), dtype=jnp.float32),
        "alphas": jax.random.uniform(ks[2], (B, 6), dtype=jnp.float32),
        "alpha_log_probs": jax.random.normal(ks[3], (B, 6), dtype=jnp.float32),
        "logits": jax.random.normal(ks[4], (B, 6), dtype=jnp.float32),
    }


def reference(MPC_action, HA_actions, alphas, alpha_log_probs, logits):
    # DR-MPC branch of Policy.run_actor (stochastic path, deterministic=False).
    # probabilities come from the base actor; here parameterized via softmax(logits).
    probabilities = jax.nn.softmax(logits, axis=-1)

    # action_HA_ALL_with_alpha = alphas.unsqueeze(2) * HA_actions
    action_HA_ALL_with_alpha = alphas[:, :, None] * HA_actions
    # action_execute_ALL = MPC_action.unsqueeze(1) * (1 - alphas.unsqueeze(2)) + action_HA_ALL_with_alpha
    action_execute_ALL = MPC_action[:, None, :] * (1.0 - alphas[:, :, None]) + action_HA_ALL_with_alpha

    # distribution = Categorical(probs=probabilities); sample = distribution.sample()
    sample = jax.random.categorical(jax.random.key(42), jnp.log(probabilities + 1e-12), axis=-1)

    B = HA_actions.shape[0]
    idx = jnp.arange(B)
    actions_HA = HA_actions[idx, sample]                    # [B, 2]
    action_execute = action_execute_ALL[idx, sample]        # [B, 2] (== action_model)
    relevant_alphas = alphas[idx, sample]                   # [B]

    # log_probs_of_sample = -distribution.entropy()
    entropy = -jnp.sum(probabilities * jnp.log(probabilities + 1e-12), axis=-1)
    log_probs_of_sample = -entropy[:, None]                 # [B, 1]
    relevant_alpha_log_probs = alpha_log_probs[idx, sample][:, None]  # [B, 1]
    action_log_probs = jnp.concatenate([log_probs_of_sample, relevant_alpha_log_probs], axis=1)  # [B, 2]

    # pack (action_execute[2], action_log_probs[2], HA_action[2], relevant_alphas[1]) -> [B, 7]
    return jnp.concatenate(
        [action_execute, action_log_probs, actions_HA, relevant_alphas[:, None]], axis=1
    )

if __name__ == "__main__":
    import jax
    _d = setup_inputs()
    print(jax.jit(kernel)(*tuple(_d.values())))

</pallas_src>

<mosaic_0001>
#map = affine_map<(d0, d1) -> (0)>
#map1 = affine_map<(d0, d1) -> (0, 0)>
module attributes {stable_mosaic.version = 14 : i64} {
  func.func @policy(%arg0: i32, %arg1: i32, %arg2: memref<32768xf32, #tpu.memory_space<hbm>>, %arg3: memref<196608xf32, #tpu.memory_space<hbm>>, %arg4: memref<98304xf32, #tpu.memory_space<hbm>>, %arg5: memref<98304xf32, #tpu.memory_space<hbm>>, %arg6: memref<98304xf32, #tpu.memory_space<hbm>>, %arg7: memref<32x3072xf32, #tpu.memory_space<hbm>>, %arg8: memref<114688xf32, #tpu.memory_space<hbm>>, %arg9: memref<1024xf32, #tpu.memory_space<vmem>>, %arg10: memref<6144xf32, #tpu.memory_space<vmem>>, %arg11: memref<3072xf32, #tpu.memory_space<vmem>>, %arg12: memref<3072xf32, #tpu.memory_space<vmem>>, %arg13: memref<3072xf32, #tpu.memory_space<vmem>>, %arg14: memref<3072xf32, #tpu.memory_space<vmem>>, %arg15: memref<3584xf32, #tpu.memory_space<vmem>>, %arg16: memref<!tpu.dma_semaphore, #tpu.memory_space<semaphore_mem>>) attributes {dimension_semantics = [#tpu.dimension_semantics<core_parallel>, #tpu.dimension_semantics<subcore_parallel>], iteration_bounds = array<i64: 2, 16>, scalar_prefetch = 0 : i64, scratch_operands = 8 : i64, tpu.core_type = #tpu.core_type<sc_vector_subcore>, window_params = [{transform_indices = #map}, {transform_indices = #map}, {transform_indices = #map}, {transform_indices = #map}, {transform_indices = #map}, {transform_indices = #map1}, {transform_indices = #map}]} {
    %mul3A = arith.constant 2 : i32
    %mul3A_0 = arith.muli %arg1, %mul3A : i32
    %add3A = arith.addi %mul3A_0, %arg0 : i32
    %mul3A_1 = arith.constant 512 : i32
    %mul3A_2 = arith.muli %add3A, %mul3A_1 : i32
    %mul3A_3 = arith.constant 2 : i32
    %mul3A_4 = arith.muli %mul3A_2, %mul3A_3 : i32
    %dma_start3A = tpu.memref_slice %arg2[%mul3A_4] : memref<32768xf32, #tpu.memory_space<hbm>> -> memref<1024xf32, #tpu.memory_space<hbm>>
    %dma_start3A_5 = tpu.memref_slice %arg2[%mul3A_4] : memref<32768xf32, #tpu.memory_space<hbm>> -> memref<1024xf32, #tpu.memory_space<hbm>>
    tpu.enqueue_dma source(%dma_start3A_5 : memref<1024xf32, #tpu.memory_space<hbm>>) target(%arg9 : memref<1024xf32, #tpu.memory_space<vmem>>) target_semaphore(%arg16 : memref<!tpu.dma_semaphore, #tpu.memory_space<semaphore_mem>>)
    %mul3A_6 = arith.constant 6 : i32
    %mul3A_7 = arith.muli %mul3A_2, %mul3A_6 : i32
    %mul3A_8 = arith.constant 2 : i32
    %mul3A_9 = arith.muli %mul3A_7, %mul3A_8 : i32
    %dma_start3A_10 = tpu.memref_slice %arg3[%mul3A_9] : memref<196608xf32, #tpu.memory_space<hbm>> -> memref<6144xf32, #tpu.memory_space<hbm>>
    %dma_start3A_11 = tpu.memref_slice %arg3[%mul3A_9] : memref<196608xf32, #tpu.memory_space<hbm>> -> memref<6144xf32, #tpu.memory_space<hbm>>
    tpu.enqueue_dma source(%dma_start3A_11 : memref<6144xf32, #tpu.memory_space<hbm>>) target(%arg10 : memref<6144xf32, #tpu.memory_space<vmem>>) target_semaphore(%arg16 : memref<!tpu.dma_semaphore, #tpu.memory_space<semaphore_mem>>)
    %mul3A_12 = arith.constant 6 : i32
    %mul3A_13 = arith.muli %mul3A_2, %mul3A_12 : i32
    %dma_start3A_14 = tpu.memref_slice %arg4[%mul3A_13] : memref<98304xf32, #tpu.memory_space<hbm>> -> memref<3072xf32, #tpu.memory_space<hbm>>
    %dma_start3A_15 = tpu.memref_slice %arg4[%mul3A_13] : memref<98304xf32, #tpu.memory_space<hbm>> -> memref<3072xf32, #tpu.memory_space<hbm>>
    tpu.enqueue_dma source(%dma_start3A_15 : memref<3072xf32, #tpu.memory_space<hbm>>) target(%arg11 : memref<3072xf32, #tpu.memory_space<vmem>>) target_semaphore(%arg16 : memref<!tpu.dma_semaphore, #tpu.memory_space<semaphore_mem>>)
    %mul3A_16 = arith.constant 6 : i32
    %mul3A_17 = arith.muli %mul3A_2, %mul3A_16 : i32
    %dma_start3A_18 = tpu.memref_slice %arg5[%mul3A_17] : memref<98304xf32, #tpu.memory_space<hbm>> -> memref<3072xf32, #tpu.memory_space<hbm>>
    %dma_start3A_19 = tpu.memref_slice %arg5[%mul3A_17] : memref<98304xf32, #tpu.memory_space<hbm>> -> memref<3072xf32, #tpu.memory_space<hbm>>
    tpu.enqueue_dma source(%dma_start3A_19 : memref<3072xf32, #tpu.memory_space<hbm>>) target(%arg12 : memref<3072xf32, #tpu.memory_space<vmem>>) target_semaphore(%arg16 : memref<!tpu.dma_semaphore, #tpu.memory_space<semaphore_mem>>)
    %mul3A_20 = arith.constant 6 : i32
    %mul3A_21 = arith.muli %mul3A_2, %mul3A_20 : i32
    %dma_start3A_22 = tpu.memref_slice %arg6[%mul3A_21] : memref<98304xf32, #tpu.memory_space<hbm>> -> memref<3072xf32, #tpu.memory_space<hbm>>
    %dma_start3A_23 = tpu.memref_slice %arg6[%mul3A_21] : memref<98304xf32, #tpu.memory_space<hbm>> -> memref<3072xf32, #tpu.memory_space<hbm>>
    tpu.enqueue_dma source(%dma_start3A_23 : memref<3072xf32, #tpu.memory_space<hbm>>) target(%arg13 : memref<3072xf32, #tpu.memory_space<vmem>>) target_semaphore(%arg16 : memref<!tpu.dma_semaphore, #tpu.memory_space<semaphore_mem>>)
    %dma_start3A_24 = arith.constant 0 : i32
    %dma_start3A_25 = tpu.memref_slice %arg7[%add3A, %dma_start3A_24] : memref<32x3072xf32, #tpu.memory_space<hbm>> -> memref<1x3072xf32, #tpu.memory_space<hbm>>
    %dma_start3A_26 = tpu.memref_squeeze %dma_start3A_25 : memref<1x3072xf32, #tpu.memory_space<hbm>> -> memref<3072xf32, #tpu.memory_space<hbm>>
    %dma_start3A_27 = arith.constant 0 : i32
    %dma_start3A_28 = tpu.memref_slice %arg7[%add3A, %dma_start3A_27] : memref<32x3072xf32, #tpu.memory_space<hbm>> -> memref<1x3072xf32, #tpu.memory_space<hbm>>
    %dma_start3A_29 = tpu.memref_squeeze %dma_start3A_28 : memref<1x3072xf32, #tpu.memory_space<hbm>> -> memref<3072xf32, #tpu.memory_space<hbm>>
    tpu.enqueue_dma source(%dma_start3A_29 : memref<3072xf32, #tpu.memory_space<hbm>>) target(%arg14 : memref<3072xf32, #tpu.memory_space<vmem>>) target_semaphore(%arg16 : memref<!tpu.dma_semaphore, #tpu.memory_space<semaphore_mem>>)
    %dma_wait3A = tpu.memref_slice %arg2[%mul3A_4] : memref<32768xf32, #tpu.memory_space<hbm>> -> memref<1024xf32, #tpu.memory_space<hbm>>
    %dma_wait3A_30 = tpu.memref_slice %arg2[%mul3A_4] : memref<32768xf32, #tpu.memory_space<hbm>> -> memref<1024xf32, #tpu.memory_space<hbm>>
    tpu.wait_dma2 semaphore(%arg16 : memref<!tpu.dma_semaphore, #tpu.memory_space<semaphore_mem>>) src(%dma_wait3A_30 : memref<1024xf32, #tpu.memory_space<hbm>>) dst(%arg9 : memref<1024xf32, #tpu.memory_space<vmem>>)
    %dma_wait3A_31 = tpu.memref_slice %arg3[%mul3A_9] : memref<196608xf32, #tpu.memory_space<hbm>> -> memref<6144xf32, #tpu.memory_space<hbm>>
    %dma_wait3A_32 = tpu.memref_slice %arg3[%mul3A_9] : memref<196608xf32, #tpu.memory_space<hbm>> -> memref<6144xf32, #tpu.memory_space<hbm>>
    tpu.wait_dma2 semaphore(%arg16 : memref<!tpu.dma_semaphore, #tpu.memory_space<semaphore_mem>>) src(%dma_wait3A_32 : memref<6144xf32, #tpu.memory_space<hbm>>) dst(%arg10 : memref<6144xf32, #tpu.memory_space<vmem>>)
    %dma_wait3A_33 = tpu.memref_slice %arg4[%mul3A_13] : memref<98304xf32, #tpu.memory_space<hbm>> -> memref<3072xf32, #tpu.memory_space<hbm>>
    %dma_wait3A_34 = tpu.memref_slice %arg4[%mul3A_13] : memref<98304xf32, #tpu.memory_space<hbm>> -> memref<3072xf32, #tpu.memory_space<hbm>>
    tpu.wait_dma2 semaphore(%arg16 : memref<!tpu.dma_semaphore, #tpu.memory_space<semaphore_mem>>) src(%dma_wait3A_34 : memref<3072xf32, #tpu.memory_space<hbm>>) dst(%arg11 : memref<3072xf32, #tpu.memory_space<vmem>>)
    %dma_wait3A_35 = tpu.memref_slice %arg5[%mul3A_17] : memref<98304xf32, #tpu.memory_space<hbm>> -> memref<3072xf32, #tpu.memory_space<hbm>>
    %dma_wait3A_36 = tpu.memref_slice %arg5[%mul3A_17] : memref<98304xf32, #tpu.memory_space<hbm>> -> memref<3072xf32, #tpu.memory_space<hbm>>
    tpu.wait_dma2 semaphore(%arg16 : memref<!tpu.dma_semaphore, #tpu.memory_space<semaphore_mem>>) src(%dma_wait3A_36 : memref<3072xf32, #tpu.memory_space<hbm>>) dst(%arg12 : memref<3072xf32, #tpu.memory_space<vmem>>)
    %dma_wait3A_37 = tpu.memref_slice %arg6[%mul3A_21] : memref<98304xf32, #tpu.memory_space<hbm>> -> memref<3072xf32, #tpu.memory_space<hbm>>
    %dma_wait3A_38 = tpu.memref_slice %arg6[%mul3A_21] : memref<98304xf32, #tpu.memory_space<hbm>> -> memref<3072xf32, #tpu.memory_space<hbm>>
    tpu.wait_dma2 semaphore(%arg16 : memref<!tpu.dma_semaphore, #tpu.memory_space<semaphore_mem>>) src(%dma_wait3A_38 : memref<3072xf32, #tpu.memory_space<hbm>>) dst(%arg13 : memref<3072xf32, #tpu.memory_space<vmem>>)
    %dma_wait3A_39 = arith.constant 0 : i32
    %dma_wait3A_40 = tpu.memref_slice %arg7[%add3A, %dma_wait3A_39] : memref<32x3072xf32, #tpu.memory_space<hbm>> -> memref<1x3072xf32, #tpu.memory_space<hbm>>
    %dma_wait3A_41 = tpu.memref_squeeze %dma_wait3A_40 : memref<1x3072xf32, #tpu.memory_space<hbm>> -> memref<3072xf32, #tpu.memory_space<hbm>>
    %dma_wait3A_42 = arith.constant 0 : i32
    %dma_wait3A_43 = tpu.memref_slice %arg7[%add3A, %dma_wait3A_42] : memref<32x3072xf32, #tpu.memory_space<hbm>> -> memref<1x3072xf32, #tpu.memory_space<hbm>>
    %dma_wait3A_44 = tpu.memref_squeeze %dma_wait3A_43 : memref<1x3072xf32, #tpu.memory_space<hbm>> -> memref<3072xf32, #tpu.memory_space<hbm>>
    tpu.wait_dma2 semaphore(%arg16 : memref<!tpu.dma_semaphore, #tpu.memory_space<semaphore_mem>>) src(%dma_wait3A_44 : memref<3072xf32, #tpu.memory_space<hbm>>) dst(%arg14 : memref<3072xf32, #tpu.memory_space<vmem>>)
    %iota3A = tpu.iota {dimensions = array<i32: 0>} : vector<16xi32>
    %scan3A = arith.constant 0 : i32
    %scan3A_45 = arith.constant 0 : i32
    %scan3A_46 = arith.constant 32 : i32
    %scan3A_47 = arith.addi %scan3A_45, %scan3A_46 : i32
    %scan3A_48 = arith.constant 1 : i32
    scf.for %scan3A_52 = %scan3A_45 to %scan3A_47 step %scan3A_48  : i32 {
      %mul3A_53 = arith.constant 16 : i32
      %mul3A_54 = arith.muli %scan3A_52, %mul3A_53 : i32
      %add3A_55 = vector.broadcast %mul3A_54 : i32 to vector<16xi32>
      %add3A_56 = arith.addi %add3A_55, %iota3A : vector<16xi32>
      %mul3A_57 = arith.constant 6 : i32
      %mul3A_58 = vector.broadcast %mul3A_57 : i32 to vector<16xi32>
      %mul3A_59 = arith.muli %add3A_56, %mul3A_58 : vector<16xi32>
      %add3A_60 = arith.constant 0 : i32
      %add3A_61 = vector.broadcast %add3A_60 : i32 to vector<16xi32>
      %add3A_62 = arith.addi %mul3A_59, %add3A_61 : vector<16xi32>
      %gather3A = tpu.vector_load_idx %arg13[%add3A_62] : memref<3072xf32, #tpu.memory_space<vmem>>[vector<16xi32>], vector<16xf32>,
      %add3A_63 = arith.constant 1 : i32
      %add3A_64 = vector.broadcast %add3A_63 : i32 to vector<16xi32>
      %add3A_65 = arith.addi %mul3A_59, %add3A_64 : vector<16xi32>
      %gather3A_66 = tpu.vector_load_idx %arg13[%add3A_65] : memref<3072xf32, #tpu.memory_space<vmem>>[vector<16xi32>], vector<16xf32>,
      %add3A_67 = arith.constant 2 : i32
      %add3A_68 = vector.broadcast %add3A_67 : i32 to vector<16xi32>
      %add3A_69 = arith.addi %mul3A_59, %add3A_68 : vector<16xi32>
      %gather3A_70 = tpu.vector_load_idx %arg13[%add3A_69] : memref<3072xf32, #tpu.memory_space<vmem>>[vector<16xi32>], vector<16xf32>,
      %add3A_71 = arith.constant 3 : i32
      %add3A_72 = vector.broadcast %add3A_71 : i32 to vector<16xi32>
      %add3A_73 = arith.addi %mul3A_59, %add3A_72 : vector<16xi32>
      %gather3A_74 = tpu.vector_load_idx %arg13[%add3A_73] : memref<3072xf32, #tpu.memory_space<vmem>>[vector<16xi32>], vector<16xf32>,
      %add3A_75 = arith.constant 4 : i32
      %add3A_76 = vector.broadcast %add3A_75 : i32 to vector<16xi32>
      %add3A_77 = arith.addi %mul3A_59, %add3A_76 : vector<16xi32>
      %gather3A_78 = tpu.vector_load_idx %arg13[%add3A_77] : memref<3072xf32, #tpu.memory_space<vmem>>[vector<16xi32>], vector<16xf32>,
      %add3A_79 = arith.constant 5 : i32
      %add3A_80 = vector.broadcast %add3A_79 : i32 to vector<16xi32>
      %add3A_81 = arith.addi %mul3A_59, %add3A_80 : vector<16xi32>
      %gather3A_82 = tpu.vector_load_idx %arg13[%add3A_81] : memref<3072xf32, #tpu.memory_space<vmem>>[vector<16xi32>], vector<16xf32>,
      %mul3A_83 = arith.constant 16 : i32
      %mul3A_84 = arith.muli %scan3A_52, %mul3A_83 : i32
      %add3A_85 = arith.constant 0 : i32
      %add3A_86 = arith.addi %add3A_85, %mul3A_84 : i32
      %get3A = arith.index_cast %add3A_86 : i32 to index
      %get3A_87 = tpu.vector_load %arg14[%get3A] {strides = array<i32>} : memref<3072xf32, #tpu.memory_space<vmem>>, vector<16xf32>,
      %mul3A_88 = arith.constant 16 : i32
      %mul3A_89 = arith.muli %scan3A_52, %mul3A_88 : i32
      %add3A_90 = arith.constant 512 : i32
      %add3A_91 = arith.addi %add3A_90, %mul3A_89 : i32
      %get3A_92 = arith.index_cast %add3A_91 : i32 to index
      %get3A_93 = tpu.vector_load %arg14[%get3A_92] {strides = array<i32>} : memref<3072xf32, #tpu.memory_space<vmem>>, vector<16xf32>,
      %mul3A_94 = arith.constant 16 : i32
      %mul3A_95 = arith.muli %scan3A_52, %mul3A_94 : i32
      %add3A_96 = arith.constant 1024 : i32
      %add3A_97 = arith.addi %add3A_96, %mul3A_95 : i32
      %get3A_98 = arith.index_cast %add3A_97 : i32 to index
      %get3A_99 = tpu.vector_load %arg14[%get3A_98] {strides = array<i32>} : memref<3072xf32, #tpu.memory_space<vmem>>, vector<16xf32>,
      %mul3A_100 = arith.constant 16 : i32
      %mul3A_101 = arith.muli %scan3A_52, %mul3A_100 : i32
      %add3A_102 = arith.constant 1536 : i32
      %add3A_103 = arith.addi %add3A_102, %mul3A_101 : i32
      %get3A_104 = arith.index_cast %add3A_103 : i32 to index
      %get3A_105 = tpu.vector_load %arg14[%get3A_104] {strides = array<i32>} : memref<3072xf32, #tpu.memory_space<vmem>>, vector<16xf32>,
      %mul3A_106 = arith.constant 16 : i32
      %mul3A_107 = arith.muli %scan3A_52, %mul3A_106 : i32
      %add3A_108 = arith.constant 2048 : i32
      %add3A_109 = arith.addi %add3A_108, %mul3A_107 : i32
      %get3A_110 = arith.index_cast %add3A_109 : i32 to index
      %get3A_111 = tpu.vector_load %arg14[%get3A_110] {strides = array<i32>} : memref<3072xf32, #tpu.memory_space<vmem>>, vector<16xf32>,
      %mul3A_112 = arith.constant 16 : i32
      %mul3A_113 = arith.muli %scan3A_52, %mul3A_112 : i32
      %add3A_114 = arith.constant 2560 : i32
      %add3A_115 = arith.addi %add3A_114, %mul3A_113 : i32
      %get3A_116 = arith.index_cast %add3A_115 : i32 to index
      %get3A_117 = tpu.vector_load %arg14[%get3A_116] {strides = array<i32>} : memref<3072xf32, #tpu.memory_space<vmem>>, vector<16xf32>,
      %max3A = arith.maximumf %gather3A, %gather3A_66 : vector<16xf32>
      %max3A_118 = arith.maximumf %max3A, %gather3A_70 : vector<16xf32>
      %max3A_119 = arith.maximumf %max3A_118, %gather3A_74 : vector<16xf32>
      %max3A_120 = arith.maximumf %max3A_119, %gather3A_78 : vector<16xf32>
      %max3A_121 = arith.maximumf %max3A_120, %gather3A_82 : vector<16xf32>
      %sub3A = arith.subf %gather3A, %max3A_121 : vector<16xf32>
      %sub3A_122 = arith.subf %gather3A_66, %max3A_121 : vector<16xf32>
      %sub3A_123 = arith.subf %gather3A_70, %max3A_121 : vector<16xf32>
      %sub3A_124 = arith.subf %gather3A_74, %max3A_121 : vector<16xf32>
      %sub3A_125 = arith.subf %gather3A_78, %max3A_121 : vector<16xf32>
      %sub3A_126 = arith.subf %gather3A_82, %max3A_121 : vector<16xf32>
      %exp3A = math.exp %sub3A : vector<16xf32>
      %exp3A_127 = math.exp %sub3A_122 : vector<16xf32>
      %exp3A_128 = math.exp %sub3A_123 : vector<16xf32>
      %exp3A_129 = math.exp %sub3A_124 : vector<16xf32>
      %exp3A_130 = math.exp %sub3A_125 : vector<16xf32>
      %exp3A_131 = math.exp %sub3A_126 : vector<16xf32>
      %add3A_132 = arith.addf %exp3A, %exp3A_127 : vector<16xf32>
      %add3A_133 = arith.addf %add3A_132, %exp3A_128 : vector<16xf32>
      %add3A_134 = arith.addf %add3A_133, %exp3A_129 : vector<16xf32>
      %add3A_135 = arith.addf %add3A_134, %exp3A_130 : vector<16xf32>
      %add3A_136 = arith.addf %add3A_135, %exp3A_131 : vector<16xf32>
      %div3A = arith.constant 1.000000e+00 : f32
      %div3A_137 = vector.broadcast %div3A : f32 to vector<16xf32>
      %div3A_138 = arith.divf %div3A_137, %add3A_136 : vector<16xf32>
      %mul3A_139 = arith.mulf %exp3A, %div3A_138 : vector<16xf32>
      %add3A_140 = arith.constant 9.99999996E-13 : f32
      %add3A_141 = vector.broadcast %add3A_140 : f32 to vector<16xf32>
      %add3A_142 = arith.addf %mul3A_139, %add3A_141 : vector<16xf32>
      %mul3A_143 = arith.mulf %add3A_142, %get3A_87 : vector<16xf32>
      %broadcast_in_dim3A = arith.constant 0 : i32
      %broadcast_in_dim3A_144 = vector.broadcast %broadcast_in_dim3A : i32 to vector<16xi32>
      %mul3A_145 = arith.mulf %exp3A_127, %div3A_138 : vector<16xf32>
      %add3A_146 = arith.constant 9.99999996E-13 : f32
      %add3A_147 = vector.broadcast %add3A_146 : f32 to vector<16xf32>
      %add3A_148 = arith.addf %mul3A_145, %add3A_147 : vector<16xf32>
      %mul3A_149 = arith.mulf %add3A_148, %get3A_93 : vector<16xf32>
      %gt3A = arith.cmpf ogt, %mul3A_149, %mul3A_143 : vector<16xf32>
      %select_n3A = arith.select %gt3A, %mul3A_149, %mul3A_143 : vector<16xi1>, vector<16xf32>
      %jit3A = arith.constant 1 : i32
      %broadcast_in_dim3A_150 = vector.broadcast %jit3A : i32 to vector<16xi32>
      %select_n3A_151 = arith.select %gt3A, %broadcast_in_dim3A_150, %broadcast_in_dim3A_144 : vector<16xi1>, vector<16xi32>
      %mul3A_152 = arith.mulf %exp3A_128, %div3A_138 : vector<16xf32>
      %add3A_153 = arith.constant 9.99999996E-13 : f32
      %add3A_154 = vector.broadcast %add3A_153 : f32 to vector<16xf32>
      %add3A_155 = arith.addf %mul3A_152, %add3A_154 : vector<16xf32>
      %mul3A_156 = arith.mulf %add3A_155, %get3A_99 : vector<16xf32>
      %gt3A_157 = arith.cmpf ogt, %mul3A_156, %select_n3A : vector<16xf32>
      %select_n3A_158 = arith.select %gt3A_157, %mul3A_156, %select_n3A : vector<16xi1>, vector<16xf32>
      %jit3A_159 = arith.constant 2 : i32
      %broadcast_in_dim3A_160 = vector.broadcast %jit3A_159 : i32 to vector<16xi32>
      %select_n3A_161 = arith.select %gt3A_157, %broadcast_in_dim3A_160, %select_n3A_151 : vector<16xi1>, vector<16xi32>
      %mul3A_162 = arith.mulf %exp3A_129, %div3A_138 : vector<16xf32>
      %add3A_163 = arith.constant 9.99999996E-13 : f32
      %add3A_164 = vector.broadcast %add3A_163 : f32 to vector<16xf32>
      %add3A_165 = arith.addf %mul3A_162, %add3A_164 : vector<16xf32>
      %mul3A_166 = arith.mulf %add3A_165, %get3A_105 : vector<16xf32>
      %gt3A_167 = arith.cmpf ogt, %mul3A_166, %select_n3A_158 : vector<16xf32>
      %select_n3A_168 = arith.select %gt3A_167, %mul3A_166, %select_n3A_158 : vector<16xi1>, vector<16xf32>
      %jit3A_169 = arith.constant 3 : i32
      %broadcast_in_dim3A_170 = vector.broadcast %jit3A_169 : i32 to vector<16xi32>
      %select_n3A_171 = arith.select %gt3A_167, %broadcast_in_dim3A_170, %select_n3A_161 : vector<16xi1>, vector<16xi32>
      %mul3A_172 = arith.mulf %exp3A_130, %div3A_138 : vector<16xf32>
      %add3A_173 = arith.constant 9.99999996E-13 : f32
      %add3A_174 = vector.broadcast %add3A_173 : f32 to vector<16xf32>
      %add3A_175 = arith.addf %mul3A_172, %add3A_174 : vector<16xf32>
      %mul3A_176 = arith.mulf %add3A_175, %get3A_111 : vector<16xf32>
      %gt3A_177 = arith.cmpf ogt, %mul3A_176, %select_n3A_168 : vector<16xf32>
      %select_n3A_178 = arith.select %gt3A_177, %mul3A_176, %select_n3A_168 : vector<16xi1>, vector<16xf32>
      %jit3A_179 = arith.constant 4 : i32
      %broadcast_in_dim3A_180 = vector.broadcast %jit3A_179 : i32 to vector<16xi32>
      %select_n3A_181 = arith.select %gt3A_177, %broadcast_in_dim3A_180, %select_n3A_171 : vector<16xi1>, vector<16xi32>
      %mul3A_182 = arith.mulf %exp3A_131, %div3A_138 : vector<16xf32>
      %add3A_183 = arith.constant 9.99999996E-13 : f32
      %add3A_184 = vector.broadcast %add3A_183 : f32 to vector<16xf32>
      %add3A_185 = arith.addf %mul3A_182, %add3A_184 : vector<16xf32>
      %mul3A_186 = arith.mulf %add3A_185, %get3A_117 : vector<16xf32>
      %gt3A_187 = arith.cmpf ogt, %mul3A_186, %select_n3A_178 : vector<16xf32>
      %select_n3A_188 = arith.select %gt3A_187, %mul3A_186, %select_n3A_178 : vector<16xi1>, vector<16xf32>
      %jit3A_189 = arith.constant 5 : i32
      %broadcast_in_dim3A_190 = vector.broadcast %jit3A_189 : i32 to vector<16xi32>
      %select_n3A_191 = arith.select %gt3A_187, %broadcast_in_dim3A_190, %select_n3A_181 : vector<16xi1>, vector<16xi32>
      %mul3A_192 = arith.mulf %sub3A, %exp3A : vector<16xf32>
      %mul3A_193 = arith.mulf %sub3A_122, %exp3A_127 : vector<16xf32>
      %add3A_194 = arith.addf %mul3A_192, %mul3A_193 : vector<16xf32>
      %mul3A_195 = arith.mulf %sub3A_123, %exp3A_128 : vector<16xf32>
      %add3A_196 = arith.addf %add3A_194, %mul3A_195 : vector<16xf32>
      %mul3A_197 = arith.mulf %sub3A_124, %exp3A_129 : vector<16xf32>
      %add3A_198 = arith.addf %add3A_196, %mul3A_197 : vector<16xf32>
      %mul3A_199 = arith.mulf %sub3A_125, %exp3A_130 : vector<16xf32>
      %add3A_200 = arith.addf %add3A_198, %mul3A_199 : vector<16xf32>
      %mul3A_201 = arith.mulf %sub3A_126, %exp3A_131 : vector<16xf32>
      %add3A_202 = arith.addf %add3A_200, %mul3A_201 : vector<16xf32>
      %bitcast3A = vector.bitcast %add3A_136 : vector<16xf32> to vector<16xi32>
      %shift_right_arithmetic3A = arith.constant 23 : i32
      %shift_right_arithmetic3A_203 = vector.broadcast %shift_right_arithmetic3A : i32 to vector<16xi32>
      %shift_right_arithmetic3A_204 = arith.shrsi %bitcast3A, %shift_right_arithmetic3A_203 : vector<16xi32>
      %sub3A_205 = arith.constant 127 : i32
      %sub3A_206 = vector.broadcast %sub3A_205 : i32 to vector<16xi32>
      %sub3A_207 = arith.subi %shift_right_arithmetic3A_204, %sub3A_206 : vector<16xi32>
      %and3A = arith.constant 8388607 : i32
      %and3A_208 = vector.broadcast %and3A : i32 to vector<16xi32>
      %and3A_209 = arith.andi %bitcast3A, %and3A_208 : vector<16xi32>
      %or3A = arith.constant 1065353216 : i32
      %or3A_210 = vector.broadcast %or3A : i32 to vector<16xi32>
      %or3A_211 = arith.ori %and3A_209, %or3A_210 : vector<16xi32>
      %bitcast3A_212 = vector.bitcast %or3A_211 : vector<16xi32> to vector<16xf32>
      %gt3A_213 = arith.constant 1.41421354 : f32
      %gt3A_214 = vector.broadcast %gt3A_213 : f32 to vector<16xf32>
      %gt3A_215 = arith.cmpf ogt, %bitcast3A_212, %gt3A_214 : vector<16xf32>
      %mul3A_216 = arith.constant 5.000000e-01 : f32
      %mul3A_217 = vector.broadcast %mul3A_216 : f32 to vector<16xf32>
      %mul3A_218 = arith.mulf %bitcast3A_212, %mul3A_217 : vector<16xf32>
      %select_n3A_219 = arith.select %gt3A_215, %mul3A_218, %bitcast3A_212 : vector<16xi1>, vector<16xf32>
      %add3A_220 = arith.constant 1 : i32
      %add3A_221 = vector.broadcast %add3A_220 : i32 to vector<16xi32>
      %add3A_222 = arith.addi %sub3A_207, %add3A_221 : vector<16xi32>
      %select_n3A_223 = arith.select %gt3A_215, %add3A_222, %sub3A_207 : vector<16xi1>, vector<16xi32>
      %sub3A_224 = arith.constant 1.000000e+00 : f32
      %sub3A_225 = vector.broadcast %sub3A_224 : f32 to vector<16xf32>
      %sub3A_226 = arith.subf %select_n3A_219, %sub3A_225 : vector<16xf32>
      %add3A_227 = arith.constant 1.000000e+00 : f32
      %add3A_228 = vector.broadcast %add3A_227 : f32 to vector<16xf32>
      %add3A_229 = arith.addf %select_n3A_219, %add3A_228 : vector<16xf32>
      %div3A_230 = arith.divf %sub3A_226, %add3A_229 : vector<16xf32>
      %mul3A_231 = arith.mulf %div3A_230, %div3A_230 : vector<16xf32>
      %mul3A_232 = arith.constant 0.111111112 : f32
      %mul3A_233 = vector.broadcast %mul3A_232 : f32 to vector<16xf32>
      %mul3A_234 = arith.mulf %mul3A_233, %mul3A_231 : vector<16xf32>
      %add3A_235 = arith.constant 0.142857149 : f32
      %add3A_236 = vector.broadcast %add3A_235 : f32 to vector<16xf32>
      %add3A_237 = arith.addf %mul3A_234, %add3A_236 : vector<16xf32>
      %mul3A_238 = arith.mulf %add3A_237, %mul3A_231 : vector<16xf32>
      %add3A_239 = arith.constant 2.000000e-01 : f32
      %add3A_240 = vector.broadcast %add3A_239 : f32 to vector<16xf32>
      %add3A_241 = arith.addf %mul3A_238, %add3A_240 : vector<16xf32>
      %mul3A_242 = arith.mulf %add3A_241, %mul3A_231 : vector<16xf32>
      %add3A_243 = arith.constant 0.333333343 : f32
      %add3A_244 = vector.broadcast %add3A_243 : f32 to vector<16xf32>
      %add3A_245 = arith.addf %mul3A_242, %add3A_244 : vector<16xf32>
      %mul3A_246 = arith.mulf %add3A_245, %mul3A_231 : vector<16xf32>
      %add3A_247 = arith.constant 1.000000e+00 : f32
      %add3A_248 = vector.broadcast %add3A_247 : f32 to vector<16xf32>
      %add3A_249 = arith.addf %mul3A_246, %add3A_248 : vector<16xf32>
      %mul3A_250 = arith.constant 2.000000e+00 : f32
      %mul3A_251 = vector.broadcast %mul3A_250 : f32 to vector<16xf32>
      %mul3A_252 = arith.mulf %mul3A_251, %div3A_230 : vector<16xf32>
      %mul3A_253 = arith.mulf %mul3A_252, %add3A_249 : vector<16xf32>
      %convert_element_type3A = arith.sitofp %select_n3A_223 : vector<16xi32> to vector<16xf32>
      %mul3A_254 = arith.constant 0.693147182 : f32
      %mul3A_255 = vector.broadcast %mul3A_254 : f32 to vector<16xf32>
      %mul3A_256 = arith.mulf %convert_element_type3A, %mul3A_255 : vector<16xf32>
      %add3A_257 = arith.addf %mul3A_253, %mul3A_256 : vector<16xf32>
      %mul3A_258 = arith.mulf %div3A_138, %add3A_202 : vector<16xf32>
      %sub3A_259 = arith.subf %mul3A_258, %add3A_257 : vector<16xf32>
      %add3A_260 = arith.addi %mul3A_59, %select_n3A_191 : vector<16xi32>
      %gather3A_261 = tpu.vector_load_idx %arg11[%add3A_260] : memref<3072xf32, #tpu.memory_space<vmem>>[vector<16xi32>], vector<16xf32>,
      %add3A_262 = arith.addi %mul3A_59, %select_n3A_191 : vector<16xi32>
      %gather3A_263 = tpu.vector_load_idx %arg12[%add3A_262] : memref<3072xf32, #tpu.memory_space<vmem>>[vector<16xi32>], vector<16xf32>,
      %mul3A_264 = arith.constant 2 : i32
      %mul3A_265 = vector.broadcast %mul3A_264 : i32 to vector<16xi32>
      %mul3A_266 = arith.muli %mul3A_59, %mul3A_265 : vector<16xi32>
      %mul3A_267 = arith.constant 2 : i32
      %mul3A_268 = vector.broadcast %mul3A_267 : i32 to vector<16xi32>
      %mul3A_269 = arith.muli %select_n3A_191, %mul3A_268 : vector<16xi32>
      %add3A_270 = arith.addi %mul3A_266, %mul3A_269 : vector<16xi32>
      %gather3A_271 = tpu.vector_load_idx %arg10[%add3A_270] : memref<6144xf32, #tpu.memory_space<vmem>>[vector<16xi32>], vector<16xf32>,
      %add3A_272 = arith.constant 1 : i32
      %add3A_273 = vector.broadcast %add3A_272 : i32 to vector<16xi32>
      %add3A_274 = arith.addi %add3A_270, %add3A_273 : vector<16xi32>
      %gather3A_275 = tpu.vector_load_idx %arg10[%add3A_274] : memref<6144xf32, #tpu.memory_space<vmem>>[vector<16xi32>], vector<16xf32>,
      %mul3A_276 = arith.constant 2 : i32
      %mul3A_277 = vector.broadcast %mul3A_276 : i32 to vector<16xi32>
      %mul3A_278 = arith.muli %add3A_56, %mul3A_277 : vector<16xi32>
      %gather3A_279 = tpu.vector_load_idx %arg9[%mul3A_278] : memref<1024xf32, #tpu.memory_space<vmem>>[vector<16xi32>], vector<16xf32>,
      %add3A_280 = arith.constant 1 : i32
      %add3A_281 = vector.broadcast %add3A_280 : i32 to vector<16xi32>
      %add3A_282 = arith.addi %mul3A_278, %add3A_281 : vector<16xi32>
      %gather3A_283 = tpu.vector_load_idx %arg9[%add3A_282] : memref<1024xf32, #tpu.memory_space<vmem>>[vector<16xi32>], vector<16xf32>,
      %sub3A_284 = arith.constant 1.000000e+00 : f32
      %sub3A_285 = vector.broadcast %sub3A_284 : f32 to vector<16xf32>
      %sub3A_286 = arith.subf %sub3A_285, %gather3A_261 : vector<16xf32>
      %mul3A_287 = arith.mulf %gather3A_279, %sub3A_286 : vector<16xf32>
      %mul3A_288 = arith.mulf %gather3A_261, %gather3A_271 : vector<16xf32>
      %add3A_289 = arith.addf %mul3A_287, %mul3A_288 : vector<16xf32>
      %sub3A_290 = arith.constant 1.000000e+00 : f32
      %sub3A_291 = vector.broadcast %sub3A_290 : f32 to vector<16xf32>
      %sub3A_292 = arith.subf %sub3A_291, %gather3A_261 : vector<16xf32>
      %mul3A_293 = arith.mulf %gather3A_283, %sub3A_292 : vector<16xf32>
      %mul3A_294 = arith.mulf %gather3A_261, %gather3A_275 : vector<16xf32>
      %add3A_295 = arith.addf %mul3A_293, %mul3A_294 : vector<16xf32>
      %mul3A_296 = arith.constant 7 : i32
      %mul3A_297 = vector.broadcast %mul3A_296 : i32 to vector<16xi32>
      %mul3A_298 = arith.muli %add3A_56, %mul3A_297 : vector<16xi32>
      %add3A_299 = arith.constant 0 : i32
      %add3A_300 = vector.broadcast %add3A_299 : i32 to vector<16xi32>
      %add3A_301 = arith.addi %mul3A_298, %add3A_300 : vector<16xi32>
      tpu.vector_store_idx %arg15[%add3A_301], %add3A_289 : memref<3584xf32, #tpu.memory_space<vmem>>[vector<16xi32>], vector<16xf32>,
      %add3A_302 = arith.constant 1 : i32
      %add3A_303 = vector.broadcast %add3A_302 : i32 to vector<16xi32>
      %add3A_304 = arith.addi %mul3A_298, %add3A_303 : vector<16xi32>
      tpu.vector_store_idx %arg15[%add3A_304], %add3A_295 : memref<3584xf32, #tpu.memory_space<vmem>>[vector<16xi32>], vector<16xf32>,
      %add3A_305 = arith.constant 2 : i32
      %add3A_306 = vector.broadcast %add3A_305 : i32 to vector<16xi32>
      %add3A_307 = arith.addi %mul3A_298, %add3A_306 : vector<16xi32>
      tpu.vector_store_idx %arg15[%add3A_307], %sub3A_259 : memref<3584xf32, #tpu.memory_space<vmem>>[vector<16xi32>], vector<16xf32>,
      %add3A_308 = arith.constant 3 : i32
      %add3A_309 = vector.broadcast %add3A_308 : i32 to vector<16xi32>
      %add3A_310 = arith.addi %mul3A_298, %add3A_309 : vector<16xi32>
      tpu.vector_store_idx %arg15[%add3A_310], %gather3A_263 : memref<3584xf32, #tpu.memory_space<vmem>>[vector<16xi32>], vector<16xf32>,
      %add3A_311 = arith.constant 4 : i32
      %add3A_312 = vector.broadcast %add3A_311 : i32 to vector<16xi32>
      %add3A_313 = arith.addi %mul3A_298, %add3A_312 : vector<16xi32>
      tpu.vector_store_idx %arg15[%add3A_313], %gather3A_271 : memref<3584xf32, #tpu.memory_space<vmem>>[vector<16xi32>], vector<16xf32>,
      %add3A_314 = arith.constant 5 : i32
      %add3A_315 = vector.broadcast %add3A_314 : i32 to vector<16xi32>
      %add3A_316 = arith.addi %mul3A_298, %add3A_315 : vector<16xi32>
      tpu.vector_store_idx %arg15[%add3A_316], %gather3A_275 : memref<3584xf32, #tpu.memory_space<vmem>>[vector<16xi32>], vector<16xf32>,
      %add3A_317 = arith.constant 6 : i32
      %add3A_318 = vector.broadcast %add3A_317 : i32 to vector<16xi32>
      %add3A_319 = arith.addi %mul3A_298, %add3A_318 : vector<16xi32>
      tpu.vector_store_idx %arg15[%add3A_319], %gather3A_261 : memref<3584xf32, #tpu.memory_space<vmem>>[vector<16xi32>], vector<16xf32>,
    }
    %scan3A_49 = arith.constant 32 : i32
    %mul3A_50 = arith.constant 7 : i32
    %mul3A_51 = arith.muli %mul3A_2, %mul3A_50 : i32
    "tpu.region"() ({
      %run_scoped3A = tpu.sem_alloc : memref<!tpu.dma_semaphore, #tpu.memory_space<semaphore_mem>>
      %dma_start3A_52 = tpu.memref_slice %arg8[%mul3A_51] : memref<114688xf32, #tpu.memory_space<hbm>> -> memref<3584xf32, #tpu.memory_space<hbm>>
      %dma_start3A_53 = tpu.memref_slice %arg8[%mul3A_51] : memref<114688xf32, #tpu.memory_space<hbm>> -> memref<3584xf32, #tpu.memory_space<hbm>>
      tpu.enqueue_dma source(%arg15 : memref<3584xf32, #tpu.memory_space<vmem>>) target(%dma_start3A_53 : memref<3584xf32, #tpu.memory_space<hbm>>) target_semaphore(%run_scoped3A : memref<!tpu.dma_semaphore, #tpu.memory_space<semaphore_mem>>)
      %dma_wait3A_54 = tpu.memref_slice %arg8[%mul3A_51] : memref<114688xf32, #tpu.memory_space<hbm>> -> memref<3584xf32, #tpu.memory_space<hbm>>
      %dma_wait3A_55 = tpu.memref_slice %arg8[%mul3A_51] : memref<114688xf32, #tpu.memory_space<hbm>> -> memref<3584xf32, #tpu.memory_space<hbm>>
      tpu.wait_dma2 semaphore(%run_scoped3A : memref<!tpu.dma_semaphore, #tpu.memory_space<semaphore_mem>>) src(%arg15 : memref<3584xf32, #tpu.memory_space<vmem>>) dst(%dma_wait3A_55 : memref<3584xf32, #tpu.memory_space<hbm>>)
      tpu.yield
    }) : () -> ()
    return
  }
}

</mosaic_0001>

<sc_bundles>
// kernel: kernel.3.cloned.1.call-start
scs
__scs_entry_jumppad:
0x0: {  	(pc) =	sbr.rel $0x88, $3  }
0x1: {  	(tag) =	ssettag $0x0;
	lr =	simm.s32 $0x1  }
0x2: {  	[smem:$0x3F9C] =	sst lr;
	_ =	strace $0xD0000000  }
0x3: {  	_ = 	snop  }
0x4: {  	_ = 	snop  }
0x5: {  	_ = 	snop  }
0x6: {  	_ = 	snop  }
0x7: {  	_ = 	snop  }
__scs_overlays_trampoline_lowered:
0x8: {  	[smem:$0x3FAB] =	sst s0  }
0x9: {  	[smem:$0x3FAC] =	sst s1  }
0xa: {  	[smem:$0x3FAD] =	sst s2  }
0xb: {  	[smem:$0x3FAE] =	sst s3  }
0xc: {  	[smem:$0x3FAF] =	sst s4  }
0xd: {  	[smem:$0x3FB0] =	sst s5  }
0xe: {  	[smem:$0x3FB1] =	sst s6  }
0xf: {  	[smem:$0x3FB2] =	sst s7  }
0x10: {  	[smem:$0x3FB3] =	sst s8  }
0x11: {  	[smem:$0x3FB4] =	sst s9;
	s0 =	simm.s32 @!p0 $0x0  }
0x12: {  	s1 =	sld [smem:$0x3F9A];
	s0 =	simm.s32 @p0 $0x1  }
0x13: {  	[smem:$0x3FB5] =	sst s0;
	s0 =	simm.s32 @!p1 $0x0  }
0x14: {  	s2 =	sld [smem:$0x3F99];
	s0 =	simm.s32 @p1 $0x1  }
0x15: {  	[smem:$0x3FB6] =	sst s0;
	s0 =	simm.s32 @!p2 $0x0  }
0x16: {  	s3 =	sld [smem:$0x3FDB];
	s0 =	simm.s32 @p2 $0x1  }
0x17: {  	s4 =	simm.s32 $0x1BF5;
	[smem:$0x3FB8] =	sst s0  }
0x18: {  	s0 =	sld [smem:$0x3F9B];
	_ =	swait.ge [sflag:s4], $0x0  }
0x19: {  	s7 =	sld [smem:$0x3F9C]  }
0x1a: {  	s8 =	sadd.s32 $0xFFFFE003, lr  }
0x1b: {  	s9 =	sadd.s32 $0xFFFFFEF7, lr;
	s5 =	simm.s32 $0xFFFFFFFF;
	p2 =	slt.u32 s8, $0xFFFFF086  }
0x1c: {  	p1 =	slt.u32 s9, $0xF7A;
	s5 =	simm.s32 @!p2 $0x0  }
0x1d: {  	s5 =	simm.s32 @p1 $0x1;
	p0 =	seq.s32 s7, s2  }
0x1e: {  	s7 =	smul.u32 @!p0 $0xF7A, s2;
	p2 =	seq.s32 @!p0 s5, $0x0  }
0x1f: {  	s9 =	smul.u32 $0xF7A, s1;
	s8 =	simm.s32 @!p0 $0x1BF5;
	p2 =	por !p2, p0  }
0x20: {  	[sflag:s8] =	ssyncset.s32 @!p0 $0xFFFFF086;
	s6 =	sadd.s32 @!p0 s3, s7;
	s7 =	simm.s32 @!p0 $0x108  }
0x21: {  	s3 =	sadd.s32 s3, s9;
	s6 =	sadd.s32 @!p0 $0x88, s6;
	s7 =	simm.s32 @p2 $0x1082  }
0x22: {  	[simem:s7], [sflag:s8] =	dma.local @!p0 [hbm:s6], $0xF7A  }
0x23: {  	s9 =	sor.u32 $0xD0000000, s2;
	s6 =	simm.s32 $0x108;
	_ =	swait.ge @!p0 [sflag:s8], $0x0  }
0x24: {  	s3 =	sadd.s32 $0x88, s3;
	s6 =	simm.s32 @!p1 $0x1082;
	[sflag:s4] =	ssyncset.s32 $0xFFFFF086  }
0x25: {  	[simem:s6], [sflag:s4] =	dma.local [hbm:s3], $0xF7A  }
0x26: {  	[smem:$0x3F9C] =	sst s1;
	(tag) =	ssettag s2;
	_ =	strace s9  }
0x27: {  	s1 =	sld [smem:$0x3FAC]  }
0x28: {  	s2 =	sld [smem:$0x3FAD]  }
0x29: {  	s4 =	sld [smem:$0x3FAF]  }
0x2a: {  	p0 =	seq.s32 s5, $0x0;
	s5 =	sld [smem:$0x3FB0]  }
0x2b: {  	s6 =	sld [smem:$0x3FB1]  }
0x2c: {  	s7 =	sld [smem:$0x3FB2]  }
0x2d: {  	s3 =	simm.s32 $0x108;
	s8 =	sld [smem:$0x3FB3]  }
0x2e: {  	s3 =	simm.s32 @!p0 $0x1082;
	s9 =	sld [smem:$0x3FB4]  }
0x2f: {  	lr =	sadd.s32 s0, s3;
	s0 =	sld [smem:$0x3FAB]  }
0x30: {  	s3 =	sld [smem:$0x3FAE]  }
0x31: {  	[smem:$0x3FB7] =	sst s10  }
0x32: {  	s10 =	sld [smem:$0x3FB5];
	_ =	sdelay $0x3  }
0x33: {  	p0 =	seq.s32 s10, $0x1;
	s10 =	sld [smem:$0x3FB7];
	_ =	sdelay $0x3  }
0x34: {  	[smem:$0x3FB7] =	sst s10  }
0x35: {  	s10 =	sld [smem:$0x3FB6];
	_ =	sdelay $0x3  }
0x36: {  	p1 =	seq.s32 s10, $0x1;
	s10 =	sld [smem:$0x3FB7];
	_ =	sdelay $0x3  }
0x37: {  	[smem:$0x3FB7] =	sst s10  }
0x38: {  	s10 =	sld [smem:$0x3FB8]  }
0x39: {  	_ = 	snop;
	(pc) =	sbr.ind lr, $3  }
0x3a: {  	_ = 	snop  }
0x3b: {  	_ = 	snop  }
0x3c: {  	p2 =	seq.s32 s10, $0x1;
	s10 =	sld [smem:$0x3FB7]  }
0x3d: {  	_ =	shalt  }
0x3e: {  	_ =	shalt  }
0x3f: {  	_ =	shalt  }
0x40: {  	_ =	shalt  }
0x41: {  	_ =	shalt  }
0x42: {  	_ =	shalt  }
0x43: {  	_ =	shalt  }
0x44: {  	_ =	shalt  }
0x45: {  	_ =	shalt  }
0x46: {  	_ =	shalt  }
0x47: {  	_ =	shalt  }
0x48: {  	_ =	shalt  }
0x49: {  	_ =	shalt  }
0x4a: {  	_ =	shalt  }
0x4b: {  	_ =	shalt  }
0x4c: {  	_ =	shalt  }
0x4d: {  	_ =	shalt  }
0x4e: {  	_ =	shalt  }
0x4f: {  	_ =	shalt  }
0x50: {  	_ =	shalt  }
0x51: {  	_ =	shalt  }
0x52: {  	_ =	shalt  }
0x53: {  	_ =	shalt  }
0x54: {  	_ =	shalt  }
0x55: {  	_ =	shalt  }
0x56: {  	_ =	shalt  }
0x57: {  	_ =	shalt  }
0x58: {  	_ =	shalt  }
0x59: {  	_ =	shalt  }
0x5a: {  	_ =	shalt  }
0x5b: {  	_ =	shalt  }
0x5c: {  	_ =	shalt  }
0x5d: {  	_ =	shalt  }
0x5e: {  	_ =	shalt  }
0x5f: {  	_ =	shalt  }
0x60: {  	_ =	shalt  }
0x61: {  	_ =	shalt  }
0x62: {  	_ =	shalt  }
0x63: {  	_ =	shalt  }
0x64: {  	_ =	shalt  }
0x65: {  	_ =	shalt  }
0x66: {  	_ =	shalt  }
0x67: {  	_ =	shalt  }
0x68: {  	_ =	shalt  }
0x69: {  	_ =	shalt  }
0x6a: {  	_ =	shalt  }
0x6b: {  	_ =	shalt  }
0x6c: {  	_ =	shalt  }
0x6d: {  	_ =	shalt  }
0x6e: {  	_ =	shalt  }
0x6f: {  	_ =	shalt  }
0x70: {  	_ =	shalt  }
0x71: {  	_ =	shalt  }
0x72: {  	_ =	shalt  }
0x73: {  	_ =	shalt  }
0x74: {  	_ =	shalt  }
0x75: {  	_ =	shalt  }
0x76: {  	_ =	shalt  }
0x77: {  	_ =	shalt  }
0x78: {  	_ =	shalt  }
0x79: {  	_ =	shalt  }
0x7a: {  	_ =	shalt  }
0x7b: {  	_ =	shalt  }
0x7c: {  	_ =	shalt  }
0x7d: {  	_ =	shalt  }
0x7e: {  	_ =	shalt  }
0x7f: {  	_ =	shalt  }
0x80: {  	_ =	shalt  }
0x81: {  	_ =	shalt  }
0x82: {  	_ =	shalt  }
0x83: {  	_ =	shalt  }
0x84: {  	_ =	shalt  }
0x85: {  	_ =	shalt  }
0x86: {  	_ =	shalt  }
0x87: {  	_ =	shalt  }
.Lfunc_end0:
.L_simem_size_0:
called_computation_lowered:
.L_overlay_start_0:
0x88: {  	s2 =	sld [smem:$0x3FD9]  }
0x89: {  	s3 =	sld [smem:$0x3FFE];
	_ =	sdelay $0x1  }
0x8a: {  	s1 =	srdreg.scid  }
0x8b: {  	s0 =	sand.u32 $0x1, s1  }
0x8c: {  	s17 =	sshll.u32 s0, $0xA;
	s2 =	sadd.s32 s3, s2  }
0x8d: {  	s2 =	sadd.s32 s2, s17  }
0x8e: {  	[smem:$0x3FC3] =	sst s2  }
0x8f: {  	_ = 	snop  }
0x90: {  	s2 =	sld [smem:$0x3FD0];
	(tm) =	ssettm $0x1  }
0x91: {  	s18 =	sld [smem:$0x3FFB];
	_ =	sdelay $0x3  }
0x92: {  	_ =	strace s18  }
0x93: {  	s3 =	sld [smem:$0x3FFC];
	_ =	sdelay $0x3  }
0x94: {  	_ =	strace s3  }
0x95: {  	s3 =	sld [smem:$0x3FFD];
	_ =	sdelay $0x3  }
0x96: {  	_ =	strace s3  }
0x97: {  	_ =	strace $0x8FFFFFFF  }
0x98: {  	s19 =	sld [smem:$0x3FDB];
	_ =	sdelay $0x1  }
0x99: {  	s4 =	simm.s32 $_scs_section_size  }
0x9a: {  	s5 =	simm.s32 $_size__tile_overlayer_lowered;
	s6 =	simm.s32 $_tile_overlayer_lowered  }
0x9b: {  	s22 =	simm.s32 $0x1BFF;
	s21 =	sshll.u32 s6, $0x1;
	s3 =	sadd.s32 s4, s19  }
0x9c: {  	s7 =	simm.s32 $0x0;
	s20 =	sshll.u32 s5, $0x1;
	s5 =	sadd.s32 s21, s3  }
0x9d: {  	[timem:s7], [sflag:s22] =	dma.local [hbm:s5], s20  }
0x9e: {  	_ =	swait.ge [sflag:s22], s20  }
0x9f: {  	s4 =	ssub.s32 $0x0, s20;
	[sflag:s22] =	ssyncset.done $0x0  }
0xa0: {  	[sflag:s22] =	ssyncadd.s32 s4;
	_ =	sdelay $0x1  }
0xa1: {  	s23 =	simm.s32 $0x1B8B  }
0xa2: {  	_ =	swait.ge [sflag:s23], $0x1  }
0xa3: {  	[sflag:s23] =	ssyncset.done $0x0  }
0xa4: {  	s25 =	simm.s32 $0x1B8E;
	s24 =	sld [smem:$0x3FFE];
	[sflag:s23] =	ssyncadd.s32 $0xFFFFFFFF  }
0xa5: {  	s26 =	simm.s32 $execute0_lowered;
	[smem:$0x3FD2] =	sst s25  }
0xa6: {  	s5 =	sshll.u32 s26, $0x1;
	_ =	strace $0x80000046;
	[dreg:$0x1] =	wrdreg $0xFFFFFFFF  }
0xa7: {  	s28 =	simm.s32 $_size_execute0_lowered;
	s3 =	sadd.s32 s3, s5;
	[dreg:$0x0] =	wrdreg $0x0  }
0xa8: {  	s5 =	sshll.u32 s28, $0x1;
	[dreg:$0x2] =	wrdreg s3  }
0xa9: {  	[dreg:$0x3] =	wrdreg s5  }
0xaa: {  	[dreg:$0x4] =	wrdreg $0xC0  }
0xab: {  	_ =	task [dreg:s7], $0x5FFFF  }
0xac: {  	[dreg:$0x1] =	wrdreg $0xFFFFFFFF  }
0xad: {  	[dreg:$0x0] =	wrdreg $0x60  }
0xae: {  	[dreg:$0x2] =	wrdreg s24  }
0xaf: {  	[dreg:$0x3] =	wrdreg s2  }
0xb0: {  	[dreg:$0x4] =	wrdreg $0x9  }
0xb1: {  	_ =	task.clear_ibuf [dreg:s7], $0x5FFFF;
	_ =	strace $0x90000046  }
0xb2: {  	s29 =	simm.s32 $0x9;
	_ =	strace $0x80000048  }
0xb3: {  	_ =	swait.ge [sflag:s29], $0x1  }
0xb4: {  	[sflag:s29] =	ssyncadd.s32 $0xFFFFFFFF  }
0xb5: {  	_ =	strace $0x90000048  }
0xb6: {  	_ =	sfence  }
0xb7: {  	s30 =	sld [smem:$0x0];
	_ =	sdelay $0x2  }
0xb8: {  	s31 =	sshll.u32 s1, $0xD;
	s1 =	sshrl.u32 s1, $0x2  }
0xb9: {  	s3 =	sand.u32 $0x4000, s31;
	s1 =	sadd.s32 s1, s30  }
0xba: {  	s0 =	sor.u32 s3, s0;
	s1 =	sshll.u32 s1, $0x11  }
0xbb: {  	s0 =	sor.u32 s1, s0  }
0xbc: {  	s0 =	sadd.s32 $0x8F2B, s0  }
0xbd: {  	[sflag:s0] =	ssyncadd.remote.s32 $0x1  }
0xbe: {  	_ =	sfence.sel $0xFFFF  }
0xbf: {  	[dreg:$0x0] =	wrdreg $0xFFFFFFFF;
	(pc) =	sbr.abs _section_cstart, $3  }
0xc0: {  	[dreg:$0x1] =	wrdreg $0xFFFFFFFF  }
0xc1: {  	_ =	task.clear_ibuf [dreg:s7], $0x2FFFF;
	_ =	strace $0x9FFFFFFF  }
0xc2: {  	(tm) =	ssettm $0x7FFFFFFF  }
0xc3: {  	_ =	shalt  }
tec
execute0_lowered:
.L_overlay_start_1:
0x0: {  	(tag) =	ssettag $0x1  }
0x1: {  	s3 =	rddreg [dreg:$0x0]  }
0x2: {  	s9 =	rddreg [dreg:$0x1]  }
0x3: {  	s0 =	rddreg [dreg:$0x2]  }
0x4: {  	s4 =	srdreg.scid;
	s1 =	stileid.u32  }
0x5: {  	s2 =	simm.s32 $0x0;
	s14 =	simm.s32 $0x3400;
	s15 =	simm.s32 $0x80  }
0x6: {  	s16 =	simm.s32 $0x1;
	s17 =	simm.s32 $0x4C00;
	s18 =	simm.s32 $0x2  }
0x7: {  	s4 =	sand.u32 $0x1, s4;
	s5 =	sshll.u32 s1, $0x1;
	s6 =	sshrl.u32 s1, $0x2  }
0x8: {  	[smem:$0x7FF] =	sst s2;
	s5 =	sor.u32 s4, s5;
	s6 =	smul.u32 $0x6000, s6  }
0x9: {  	s19 =	simm.s32 $0x0;
	_ =	strace $0x80000047;
	s10 =	smul.u32 $0x300, s5  }
0xa: {  	s4 =	ssub.s32 $0x2, s4;
	s7 =	sshll.u32 s5, $0x7;
	s11 =	smul.u32 $0x180, s5  }
0xb: {  	s13 =	smul.u32 $0x1C0, s5;
	s8 =	sadd.s32 s7, s3;
	s7 =	sand.u32 $0x380, s7  }
0xc: {  	s31 =	sshrl.u32 s4, $0x1;
	s6 =	sor.u32 s6, s7;
	s30 =	sadd.s32 s10, s3  }
0xd: {  	s11 =	sadd.s32 s11, s3;
	s10 =	ssub.s32 s4, s31;
	s9 =	sadd.s32 s9, s13  }
0xe: {  	s13 =	simm.s32 $0x2800;
	s6 =	sshrl.u32 s6, $0x3;
	s4 =	sadd.s32 $0x200E00, s30  }
0xf: {  	s5 =	sadd.s32 $0x3E00, s11;
	s7 =	sadd.s32 $0xE00, s11;
	s10 =	smax.u32 s10, $0x1  }
0x10: {  	s12 =	sadd.s32 s6, s3;
	s3 =	sadd.s32 $0x9E00, s8;
	s6 =	sadd.s32 $0x6E00, s11  }
0x11: {  	v0 =	vlaneseq.u32;
	v1 =	vimm.s32 $0x0;
	v2 =	vimm.s32 $0xFFFFFF81;
	s11 =	simm.s32 $0x400;
	s8 =	sadd.s32 $0xAE00, s12;
	s12 =	simm.s32 $0x1C00  }
.LBB2_1:
0x12: {  	[tilespmem:s2], [sflag:$0x1] =	stream.linear.gather [hbm4b:s3+s2], $0x400, $0x38;
	[tilespmem:$0x5A00] =	vst v63  }
0x13: {  	_ = 	snop  }
0x14: {  	[tilespmem:s11], [sflag:$0x1] =	stream.linear.gather [hbm4b:s4+s2], $0x1800, $0x38;
	[tilespmem:$0x5A00] =	vst v63  }
0x15: {  	_ = 	snop  }
0x16: {  	[tilespmem:s12], [sflag:$0x1] =	stream.linear.gather [hbm4b:s5+s2], $0xC00, $0x38;
	[tilespmem:$0x5A00] =	vst v63  }
0x17: {  	_ = 	snop  }
0x18: {  	[tilespmem:s13], [sflag:$0x1] =	stream.linear.gather [hbm4b:s6+s2], $0xC00, $0x38;
	[tilespmem:$0x5A00] =	vst v63  }
0x19: {  	_ = 	snop  }
0x1a: {  	[tilespmem:s14], [sflag:$0x1] =	stream.linear.gather [hbm4b:s7+s2], $0xC00, $0x38;
	[tilespmem:$0x5A00] =	vst v63  }
0x1b: {  	s20 =	simm.s32 $0x4000  }
0x1c: {  	[tilespmem:s20], [sflag:$0x1] =	stream.strided.gather [hbm4b:s8+s15], $0xC00, s11, s15, $0x38;
	[tilespmem:$0x5A00] =	vst v63  }
0x1d: {  	_ =	swait.ge [sflag:s16], $0x400  }
0x1e: {  	[sflag:s16] =	ssyncset.done $0x0  }
0x1f: {  	[sflag:s16] =	ssyncadd.s32 $0xFFFFFC00  }
0x20: {  	_ =	swait.ge [sflag:s16], $0x1800  }
0x21: {  	[sflag:s16] =	ssyncset.done $0x0  }
0x22: {  	[sflag:s16] =	ssyncadd.s32 $0xFFFFE800  }
0x23: {  	_ =	swait.ge [sflag:s16], $0xC00  }
0x24: {  	[sflag:s16] =	ssyncset.done $0x0  }
0x25: {  	[sflag:s16] =	ssyncadd.s32 $0xFFFFF400  }
0x26: {  	_ =	swait.ge [sflag:s16], $0xC00  }
0x27: {  	[sflag:s16] =	ssyncset.done $0x0  }
0x28: {  	v3 =	vor.u32 s2, v0;
	[sflag:s16] =	ssyncadd.s32 $0xFFFFF400  }
0x29: {  	v4 =	vmul.u32 $0x6, v3;
	_ =	swait.ge [sflag:s16], $0xC00  }
0x2a: {  	[sflag:s16] =	ssyncset.done $0x0  }
0x2b: {  	v5 =	vor.u32 $0x1, v4;
	[sflag:s16] =	ssyncadd.s32 $0xFFFFF400  }
0x2c: {  	v6 =	vadd.s32 $0x2, v4;
	_ =	swait.ge [sflag:s16], $0xC00  }
0x2d: {  	v7 =	vadd.s32 $0x3, v4;
	[sflag:s16] =	ssyncset.done $0x0  }
0x2e: {  	v8 =	vadd.s32 $0x4, v4;
	[sflag:s16] =	ssyncadd.s32 $0xFFFFF400  }
0x2f: {  	v9 =	vadd.s32 $0x5, v4;
	v10 =	vld.idx.msk [tilespmem:v4+s14+$0x0], $0xffff  }
0x30: {  	v5 =	vld.idx.msk [tilespmem:v5+s14+$0x0], $0xffff  }
0x31: {  	v6 =	vld.idx.msk [tilespmem:v6+s14+$0x0], $0xffff  }
0x32: {  	v7 =	vld.idx.msk [tilespmem:v7+s14+$0x0], $0xffff  }
0x33: {  	v8 =	vld.idx.msk [tilespmem:v8+s14+$0x0], $0xffff  }
0x34: {  	v9 =	vld.idx.msk [tilespmem:v9+s14+$0x0], $0xffff  }
0x35: {  	v11 =	vmax.f32 v10, v5  }
0x36: {  	v11 =	vmax.f32 v11, v6  }
0x37: {  	v11 =	vmax.f32 v11, v7  }
0x38: {  	v11 =	vmax.f32 v11, v8  }
0x39: {  	v11 =	vmax.f32 v11, v9  }
0x3a: {  	v10 =	vsub.f32 v10, v11  }
0x3b: {  	v5 =	vsub.f32 v5, v11  }
0x3c: {  	v12 =	vmul.f32 $1.442695020e+00, v10  }
0x3d: {  	v6 =	vsub.f32 v6, v11;
	v13 =	vmul.f32 $1.442695020e+00, v5  }
0x3e: {  	(erf) = vpow2.f32 v12  }
0x3f: {  	v7 =	vsub.f32 v7, v11;
	v12 =	vmul.f32 $1.442695020e+00, v6;
	(erf) = vpow2.f32 v13;
	_ =	sdelay $0x1  }
0x40: {  	v13 =	vsub.f32 v8, v11;
	v8 =	vmul.f32 $1.442695020e+00, v7;
	(erf) = vpow2.f32 v12  }
0x41: {  	v11 =	vsub.f32 v9, v11  }
0x42: {  	v9 =	vmul.f32 $1.442695020e+00, v13;
	(erf) = vpow2.f32 v8  }
0x43: {  	v8 =	vmul.f32 $1.442695020e+00, v11  }
0x44: {  	(erf) = vpow2.f32 v9;
	_ =	sdelay $0x1  }
0x45: {  	v9 =	vpop (erf);
	(erf) = vpow2.f32 v8  }
0x46: {  	v8 =	vpop (erf)  }
0x47: {  	v12 =	vadd.f32 v8, v9  }
0x48: {  	v14 =	vpop (erf)  }
0x49: {  	v12 =	vadd.f32 v12, v14  }
0x4a: {  	v15 =	vpop (erf)  }
0x4b: {  	v12 =	vadd.f32 v12, v15  }
0x4c: {  	v16 =	vpop (erf)  }
0x4d: {  	v12 =	vadd.f32 v12, v16  }
0x4e: {  	v17 =	vpop (erf)  }
0x4f: {  	v12 =	vadd.f32 v12, v17;
	_ =	sdelay $0x1  }
0x50: {  	v18 =	vand.u32 $0x7FFFFF, v12  }
0x51: {  	(erf) = vrcp.f32 v12;
	v18 =	vor.u32 $0x3F800000, v18  }
0x52: {  	v19 =	vmul.f32 $5.000000000e-01, v18  }
0x53: {  	vm0 =	vgt.f32 v18, $1.414213540e+00  }
0x54: {  	v18 =	vsel vm0, v19, v18  }
0x55: {  	v19 =	vadd.f32 $1.000000000e+00, v18;
	_ =	sdelay $0x1  }
0x56: {  	(erf) = vrcp.f32 v19  }
0x57: {  	s21 =	sand.u32 $0x1F0, s2  }
0x58: {  	v48 =	vld [tilespmem:s21+$0x4200]  }
0x59: {  	v20 =	vld [tilespmem:s20+$0x0];
	v21 =	vpop (erf)  }
0x5a: {  	v23 =	vmul.f32 v21, v9;
	v24 =	vmul.f32 v21, v8  }
0x5b: {  	v22 =	vld [tilespmem:s21+$0x4400]  }
0x5c: {  	v25 =	vmul.f32 v21, v14;
	v23 =	vadd.f32 $9.999999960e-13, v23;
	v24 =	vadd.f32 $9.999999960e-13, v24  }
0x5d: {  	v27 =	vld [tilespmem:s21+$0x4600];
	v18 =	vadd.f32 $-1.000000000e+00, v18;
	v26 =	vmul.f32 v21, v15  }
0x5e: {  	v49 =	vld [tilespmem:s21+$0x4800];
	v25 =	vadd.f32 $9.999999960e-13, v25;
	v20 =	vmul.f32 v23, v20;
	v19 =	vmul.f32 v24, v48  }
0x5f: {  	v50 =	vmul.f32 v21, v16;
	v26 =	vadd.f32 $9.999999960e-13, v26;
	v51 =	vpop (erf)  }
0x60: {  	v22 =	vmul.f32 v25, v22;
	vm1 =	vgt.f32 v19, v20;
	v18 =	vmul.f32 v51, v18  }
0x61: {  	v52 =	vld [tilespmem:s21+$0x4A00];
	v53 =	vmul.f32 v21, v17;
	v24 =	vadd.f32 $9.999999960e-13, v50;
	v19 =	vsel vm1, v19, v20  }
0x62: {  	v26 =	vmul.f32 v26, v27;
	vm2 =	vgt.f32 v22, v19;
	v54 =	vmul.f32 v18, v18  }
0x63: {  	v55 =	vmul.f32 v24, v49;
	v20 =	vadd.f32 $9.999999960e-13, v53;
	v19 =	vsel vm2, v22, v19  }
0x64: {  	v56 =	vsel vm1, $0x1, v1;
	vm13 =	vgt.f32 v26, v19;
	v57 =	vmul.f32 $1.111111120e-01, v54  }
0x65: {  	v23 =	vsel vm2, $0x2, v56;
	v19 =	vsel vm13, v26, v19  }
0x66: {  	v20 =	vmul.f32 v20, v52;
	vm14 =	vgt.f32 v55, v19;
	v24 =	vadd.f32 $1.428571490e-01, v57  }
0x67: {  	v59 =	vshll.u32 v3, $0x1;
	v23 =	vsel vm13, $0x3, v23;
	v19 =	vsel vm14, v55, v19  }
0x68: {  	v58 =	vsel vm14, $0x4, v23;
	vm15 =	vgt.f32 v20, v19;
	v60 =	vmul.f32 v24, v54  }
0x69: {  	v62 =	vmul.u32 $0xC, v3;
	v61 =	vor.u32 $0x1, v59;
	v22 =	vsel vm15, $0x5, v58  }
0x6a: {  	v4 =	vadd.s32 v4, v22;
	v22 =	vshll.u32 v22, $0x1;
	v19 =	vadd.f32 $2.000000030e-01, v60  }
0x6b: {  	v5 =	vmul.f32 v8, v5;
	v9 =	vmul.f32 v9, v10;
	v10 =	vadd.s32 v62, v22  }
0x6c: {  	v8 =	vmul.f32 v19, v54  }
0x6d: {  	v6 =	vmul.f32 v14, v6;
	v5 =	vadd.f32 v5, v9;
	v9 =	vor.u32 $0x1, v10  }
0x6e: {  	v14 =	vld.idx.msk [tilespmem:v61+s2+$0x0], $0xffff;
	v19 =	vadd.f32 $3.333333430e-01, v8  }
0x6f: {  	v5 =	vadd.f32 v5, v6;
	v6 =	vmul.f32 v15, v7;
	v8 =	vld.idx.msk [tilespmem:v4+s12+$0x0], $0xffff  }
0x70: {  	v7 =	vshra.s32 v12, $0x17;
	v12 =	vsel vm0, $0xFFFFFF82, v2;
	v63 =	vld.idx.msk [tilespmem:v10+s11+$0x0], $0xffff;
	v10 =	vmul.f32 v19, v54  }
0x71: {  	v7 =	vadd.s32 v7, v12;
	v12 =	vld.idx.msk [tilespmem:v59+s2+$0x0], $0xffff;
	v5 =	vadd.f32 v5, v6;
	v6 =	vmul.f32 v16, v13  }
0x72: {  	v7 =	vcvt.s32.f32 v7;
	v13 =	vadd.f32 v18, v18;
	v9 =	vld.idx.msk [tilespmem:v9+s11+$0x0], $0xffff;
	v10 =	vadd.f32 $1.000000000e+00, v10  }
0x73: {  	v5 =	vadd.f32 v5, v6;
	v6 =	vmul.f32 v17, v11;
	v11 =	vmul.u32 $0x7, v3  }
0x74: {  	v7 =	vmul.f32 $6.931471820e-01, v7;
	v3 =	vmul.f32 v10, v13;
	v10 =	vsub.f32 $1.000000000e+00, v8  }
0x75: {  	v5 =	vadd.f32 v5, v6;
	v6 =	vmul.f32 v63, v8  }
0x76: {  	v13 =	vadd.s32 $0x1, v11;
	v7 =	vadd.f32 v3, v7;
	v3 =	vmul.f32 v12, v10  }
0x77: {  	v10 =	vmul.f32 v14, v10;
	v12 =	vmul.f32 v9, v8;
	v14 =	vadd.s32 $0x2, v11  }
0x78: {  	v16 =	vadd.s32 $0x3, v11;
	v15 =	vld.idx.msk [tilespmem:v4+s13+$0x0], $0xffff;
	v4 =	vmul.f32 v5, v21;
	v5 =	vadd.f32 v3, v6  }
0x79: {  	s21 =	simm.s32 $0x10;
	v17 =	vadd.s32 $0x4, v11;
	v10 =	vadd.f32 v10, v12  }
0x7a: {  	v3 =	vor.u32 s21, v0;
	v12 =	vsub.f32 v4, v7;
	[tilespmem:v11+s17+$0x0] =	vst.idx.msk $0xffff, v5  }
0x7b: {  	v7 =	vadd.s32 $0x5, v11;
	v6 =	vmul.u32 $0x6, v3;
	[tilespmem:v13+s17+$0x0] =	vst.idx.msk $0xffff, v10  }
0x7c: {  	v4 =	vshll.u32 v3, $0x1;
	v10 =	vadd.s32 $0x6, v11;
	[tilespmem:v14+s17+$0x0] =	vst.idx.msk $0xffff, v12  }
0x7d: {  	v5 =	vor.u32 $0x1, v4;
	v11 =	vadd.s32 $0x2, v6;
	v13 =	vadd.s32 $0x3, v6;
	[tilespmem:v16+s17+$0x0] =	vst.idx.msk $0xffff, v15  }
0x7e: {  	s22 =	simm.s32 $0x20;
	v12 =	vor.u32 $0x1, v6;
	v14 =	vadd.s32 $0x5, v6;
	v15 =	vadd.s32 $0x4, v6;
	[tilespmem:v17+s17+$0x0] =	vst.idx.msk $0xffff, v63  }
.LBB2_2:
0x7f: {  	p0 =	sne.s32 s22, $0x1F0  }
0x80: {  	[tilespmem:v7+s17+$0x0] =	vst.idx.msk $0xffff, v9;
	s20 =	sadd.s32 $0x10, s20;
	s23 =	smov.u32 s22;
	s22 =	sadd.s32 $0x10, s22  }
0x81: {  	[tilespmem:v10+s17+$0x0] =	vst.idx.msk $0xffff, v8  }
0x82: {  	v7 =	vld.idx.msk [tilespmem:v6+s14+$0x0], $0xffff  }
0x83: {  	v8 =	vld.idx.msk [tilespmem:v12+s14+$0x0], $0xffff  }
0x84: {  	v9 =	vld.idx.msk [tilespmem:v11+s14+$0x0], $0xffff  }
0x85: {  	v10 =	vld.idx.msk [tilespmem:v13+s14+$0x0], $0xffff  }
0x86: {  	v11 =	vld.idx.msk [tilespmem:v15+s14+$0x0], $0xffff  }
0x87: {  	v12 =	vld.idx.msk [tilespmem:v14+s14+$0x0], $0xffff;
	_ =	sdelay $0x1  }
0x88: {  	v13 =	vmax.f32 v7, v8  }
0x89: {  	v13 =	vmax.f32 v13, v9  }
0x8a: {  	v13 =	vmax.f32 v13, v10  }
0x8b: {  	v13 =	vmax.f32 v13, v11  }
0x8c: {  	v13 =	vmax.f32 v13, v12  }
0x8d: {  	v7 =	vsub.f32 v7, v13;
	v8 =	vsub.f32 v8, v13  }
0x8e: {  	v9 =	vsub.f32 v9, v13;
	v10 =	vsub.f32 v10, v13  }
0x8f: {  	v11 =	vsub.f32 v11, v13;
	v14 =	vmul.f32 $1.442695020e+00, v7;
	v15 =	vmul.f32 $1.442695020e+00, v8  }
0x90: {  	v12 =	vsub.f32 v12, v13;
	v13 =	vmul.f32 $1.442695020e+00, v9;
	v16 =	vmul.f32 $1.442695020e+00, v10  }
0x91: {  	v17 =	vmul.f32 $1.442695020e+00, v11;
	(erf) = vpow2.f32 v14  }
0x92: {  	v14 =	vmul.f32 $1.442695020e+00, v12;
	(erf) = vpow2.f32 v15;
	_ =	sdelay $0x1  }
0x93: {  	(erf) = vpow2.f32 v13;
	_ =	sdelay $0x1  }
0x94: {  	(erf) = vpow2.f32 v16;
	_ =	sdelay $0x1  }
0x95: {  	(erf) = vpow2.f32 v17;
	_ =	sdelay $0x1  }
0x96: {  	v13 =	vpop (erf);
	(erf) = vpow2.f32 v14  }
0x97: {  	v7 =	vmul.f32 v13, v7;
	v14 =	vpop (erf)  }
0x98: {  	v15 =	vadd.f32 v14, v13;
	v8 =	vmul.f32 v14, v8  }
0x99: {  	v16 =	vpop (erf)  }
0x9a: {  	v15 =	vadd.f32 v15, v16;
	v7 =	vadd.f32 v8, v7;
	v8 =	vmul.f32 v16, v9  }
0x9b: {  	v9 =	vpop (erf)  }
0x9c: {  	v15 =	vadd.f32 v15, v9;
	v7 =	vadd.f32 v7, v8;
	v8 =	vmul.f32 v9, v10  }
0x9d: {  	v10 =	vpop (erf)  }
0x9e: {  	v15 =	vadd.f32 v15, v10;
	v7 =	vadd.f32 v7, v8;
	v8 =	vmul.f32 v10, v11  }
0x9f: {  	v11 =	vpop (erf)  }
0xa0: {  	v15 =	vadd.f32 v15, v11;
	v7 =	vadd.f32 v7, v8;
	v8 =	vmul.f32 v11, v12;
	_ =	sdelay $0x1  }
0xa1: {  	v7 =	vadd.f32 v7, v8;
	v8 =	vand.u32 $0x7FFFFF, v15;
	(erf) = vrcp.f32 v15  }
0xa2: {  	v8 =	vor.u32 $0x3F800000, v8  }
0xa3: {  	v12 =	vmul.f32 $5.000000000e-01, v8  }
0xa4: {  	vm0 =	vgt.f32 v8, $1.414213540e+00  }
0xa5: {  	v15 =	vshra.s32 v15, $0x17;
	v8 =	vsel vm0, v12, v8;
	v12 =	vsel vm0, $0xFFFFFF82, v2  }
0xa6: {  	v12 =	vadd.s32 v15, v12;
	v15 =	vadd.f32 $1.000000000e+00, v8  }
0xa7: {  	v12 =	vcvt.s32.f32 v12  }
0xa8: {  	s24 =	sand.u32 $0x1F0, s21;
	s21 =	smov.u32 s23;
	(erf) = vrcp.f32 v15  }
0xa9: {  	v15 =	vld [tilespmem:s24+$0x4200]  }
0xaa: {  	v17 =	vld [tilespmem:s20+$0x0];
	v18 =	vpop (erf)  }
0xab: {  	v19 =	vld [tilespmem:s24+$0x4400];
	v13 =	vmul.f32 v18, v13;
	v14 =	vmul.f32 v18, v14  }
0xac: {  	v16 =	vmul.f32 v18, v16;
	v9 =	vmul.f32 v18, v9  }
0xad: {  	v10 =	vmul.f32 v18, v10;
	v20 =	vld [tilespmem:s24+$0x4600];
	v13 =	vadd.f32 $9.999999960e-13, v13;
	v14 =	vadd.f32 $9.999999960e-13, v14  }
0xae: {  	v11 =	vmul.f32 v18, v11;
	v16 =	vadd.f32 $9.999999960e-13, v16;
	v9 =	vadd.f32 $9.999999960e-13, v9  }
0xaf: {  	v10 =	vadd.f32 $9.999999960e-13, v10;
	v21 =	vld [tilespmem:s24+$0x4800];
	v13 =	vmul.f32 v13, v17;
	v14 =	vmul.f32 v14, v15  }
0xb0: {  	v8 =	vadd.f32 $-1.000000000e+00, v8;
	v11 =	vadd.f32 $9.999999960e-13, v11;
	v15 =	vld [tilespmem:s24+$0x4A00];
	v16 =	vmul.f32 v16, v19  }
0xb1: {  	vm0 =	vgt.f32 v14, v13;
	v17 =	vpop (erf)  }
0xb2: {  	v13 =	vsel vm0, v14, v13;
	v9 =	vmul.f32 v9, v20;
	v14 =	vmul.f32 v17, v8  }
0xb3: {  	vm1 =	vgt.f32 v16, v13  }
0xb4: {  	v8 =	vsel vm1, v16, v13;
	v10 =	vmul.f32 v10, v21;
	v13 =	vmul.f32 v14, v14  }
0xb5: {  	v16 =	vsel vm0, $0x1, v1;
	vm0 =	vgt.f32 v9, v8;
	v11 =	vmul.f32 v11, v15  }
0xb6: {  	v15 =	vsel vm1, $0x2, v16;
	v8 =	vsel vm0, v9, v8;
	v9 =	vmul.f32 $1.111111120e-01, v13  }
0xb7: {  	v15 =	vsel vm0, $0x3, v15;
	vm0 =	vgt.f32 v10, v8  }
0xb8: {  	v8 =	vsel vm0, v10, v8;
	v10 =	vsel vm0, $0x4, v15;
	v9 =	vadd.f32 $1.428571490e-01, v9  }
0xb9: {  	vm0 =	vgt.f32 v11, v8  }
0xba: {  	v8 =	vsel vm0, $0x5, v10;
	v9 =	vmul.f32 v9, v13;
	v10 =	vmul.u32 $0xC, v3  }
0xbb: {  	v6 =	vadd.s32 v6, v8;
	v8 =	vshll.u32 v8, $0x1  }
0xbc: {  	v9 =	vadd.f32 $2.000000030e-01, v9;
	v10 =	vadd.s32 v10, v8  }
0xbd: {  	v11 =	vor.u32 $0x1, v10  }
0xbe: {  	v8 =	vmul.f32 v9, v13;
	v5 =	vld.idx.msk [tilespmem:v5+s2+$0x0], $0xffff  }
0xbf: {  	v4 =	vld.idx.msk [tilespmem:v4+s2+$0x0], $0xffff  }
0xc0: {  	v9 =	vadd.f32 $3.333333430e-01, v8;
	v8 =	vld.idx.msk [tilespmem:v6+s12+$0x0], $0xffff  }
0xc1: {  	v16 =	vld.idx.msk [tilespmem:v10+s11+$0x0], $0xffff  }
0xc2: {  	v10 =	vmul.f32 v9, v13;
	v9 =	vld.idx.msk [tilespmem:v11+s11+$0x0], $0xffff;
	_ =	sdelay $0x1  }
0xc3: {  	v11 =	vadd.f32 v14, v14;
	v10 =	vadd.f32 $1.000000000e+00, v10  }
0xc4: {  	v13 =	vmul.u32 $0x7, v3  }
0xc5: {  	v3 =	vmul.f32 v10, v11;
	v10 =	vmul.f32 $6.931471820e-01, v12;
	v11 =	vsub.f32 $1.000000000e+00, v8  }
0xc6: {  	v14 =	vadd.s32 $0x1, v13;
	v12 =	vmul.f32 v16, v8  }
0xc7: {  	v10 =	vadd.f32 v3, v10;
	v3 =	vmul.f32 v4, v11;
	v4 =	vmul.f32 v5, v11  }
0xc8: {  	v5 =	vmul.f32 v9, v8;
	v11 =	vadd.s32 $0x2, v13;
	v15 =	vld.idx.msk [tilespmem:v6+s13+$0x0], $0xffff  }
0xc9: {  	v17 =	vadd.s32 $0x3, v13;
	v6 =	vmul.f32 v7, v18;
	v7 =	vadd.f32 v3, v12  }
0xca: {  	v18 =	vadd.s32 $0x4, v13;
	v5 =	vadd.f32 v4, v5  }
.Ltmp0:
0xcb: {  	v3 =	vor.u32 s21, v0;
	v12 =	vsub.f32 v6, v10;
	[tilespmem:v13+s17+$0x0] =	vst.idx.msk $0xffff, v7;
	v7 =	vadd.s32 $0x5, v13;
	(pc) =	sbr.rel @p0 .LBB2_2-.Ltmp0, $4  }
0xcc: {  	v6 =	vmul.u32 $0x6, v3;
	v4 =	vshll.u32 v3, $0x1;
	v10 =	vadd.s32 $0x6, v13;
	[tilespmem:v14+s17+$0x0] =	vst.idx.msk $0xffff, v5  }
0xcd: {  	v5 =	vor.u32 $0x1, v4;
	[tilespmem:v11+s17+$0x0] =	vst.idx.msk $0xffff, v12  }
0xce: {  	v13 =	vadd.s32 $0x3, v6;
	v12 =	vor.u32 $0x1, v6;
	v11 =	vadd.s32 $0x2, v6;
	[tilespmem:v17+s17+$0x0] =	vst.idx.msk $0xffff, v15  }
0xcf: {  	v14 =	vadd.s32 $0x5, v6;
	v15 =	vadd.s32 $0x4, v6;
	[tilespmem:v18+s17+$0x0] =	vst.idx.msk $0xffff, v16  }
0xd0: {  	_ =	sdelay $0x3  }
0xd1: {  	[tilespmem:v7+s17+$0x0] =	vst.idx.msk $0xffff, v9  }
0xd2: {  	[tilespmem:v10+s17+$0x0] =	vst.idx.msk $0xffff, v8  }
0xd3: {  	v7 =	vld.idx.msk [tilespmem:v6+s14+$0x0], $0xffff  }
0xd4: {  	v8 =	vld.idx.msk [tilespmem:v12+s14+$0x0], $0xffff  }
0xd5: {  	v9 =	vld.idx.msk [tilespmem:v11+s14+$0x0], $0xffff  }
0xd6: {  	v10 =	vld.idx.msk [tilespmem:v13+s14+$0x0], $0xffff  }
0xd7: {  	v50 =	vld.idx.msk [tilespmem:v15+s14+$0x0], $0xffff  }
0xd8: {  	v51 =	vld.idx.msk [tilespmem:v14+s14+$0x0], $0xffff  }
0xd9: {  	v52 =	vmax.f32 v7, v8  }
0xda: {  	v13 =	vmax.f32 v52, v9  }
0xdb: {  	v13 =	vmax.f32 v13, v10  }
0xdc: {  	v13 =	vmax.f32 v13, v50  }
0xdd: {  	v13 =	vmax.f32 v13, v51  }
0xde: {  	v7 =	vsub.f32 v7, v13  }
0xdf: {  	v8 =	vsub.f32 v8, v13  }
0xe0: {  	v53 =	vmul.f32 $1.442695020e+00, v7  }
0xe1: {  	v9 =	vsub.f32 v9, v13;
	v54 =	vmul.f32 $1.442695020e+00, v8  }
0xe2: {  	(erf) = vpow2.f32 v53  }
0xe3: {  	v10 =	vsub.f32 v10, v13;
	v55 =	vmul.f32 $1.442695020e+00, v9;
	(erf) = vpow2.f32 v54;
	_ =	sdelay $0x1  }
0xe4: {  	v11 =	vsub.f32 v50, v13;
	v56 =	vmul.f32 $1.442695020e+00, v10;
	(erf) = vpow2.f32 v55;
	_ =	sdelay $0x1  }
0xe5: {  	v12 =	vsub.f32 v51, v13;
	v57 =	vmul.f32 $1.442695020e+00, v11;
	(erf) = vpow2.f32 v56;
	_ =	sdelay $0x1  }
0xe6: {  	v58 =	vmul.f32 $1.442695020e+00, v12;
	(erf) = vpow2.f32 v57;
	_ =	sdelay $0x1  }
0xe7: {  	v59 =	vpop (erf);
	(erf) = vpow2.f32 v58  }
0xe8: {  	v60 =	vpop (erf)  }
0xe9: {  	v61 =	vadd.f32 v60, v59  }
0xea: {  	v16 =	vpop (erf)  }
0xeb: {  	v15 =	vadd.f32 v61, v16  }
0xec: {  	v17 =	vpop (erf)  }
0xed: {  	v15 =	vadd.f32 v15, v17  }
0xee: {  	v18 =	vpop (erf)  }
0xef: {  	v15 =	vadd.f32 v15, v18  }
0xf0: {  	v19 =	vpop (erf)  }
0xf1: {  	v15 =	vadd.f32 v15, v19;
	_ =	sdelay $0x1  }
0xf2: {  	v20 =	vand.u32 $0x7FFFFF, v15;
	(erf) = vrcp.f32 v15  }
0xf3: {  	v20 =	vor.u32 $0x3F800000, v20  }
0xf4: {  	v21 =	vmul.f32 $5.000000000e-01, v20  }
0xf5: {  	vm0 =	vgt.f32 v20, $1.414213540e+00  }
0xf6: {  	v20 =	vsel vm0, v21, v20  }
0xf7: {  	v21 =	vadd.f32 $1.000000000e+00, v20;
	_ =	sdelay $0x1  }
0xf8: {  	s21 =	sand.u32 $0x1F0, s21;
	(erf) = vrcp.f32 v21  }
0xf9: {  	s20 =	sadd.s32 $0x10, s20;
	v62 =	vld [tilespmem:s21+$0x4200]  }
0xfa: {  	v22 =	vld [tilespmem:s20+$0x0];
	v23 =	vpop (erf)  }
0xfb: {  	v25 =	vmul.f32 v23, v59;
	v26 =	vmul.f32 v23, v60  }
0xfc: {  	v24 =	vld [tilespmem:s21+$0x4400]  }
0xfd: {  	v27 =	vmul.f32 v23, v16;
	v25 =	vadd.f32 $9.999999960e-13, v25;
	v26 =	vadd.f32 $9.999999960e-13, v26  }
0xfe: {  	v29 =	vld [tilespmem:s21+$0x4600];
	v28 =	vmul.f32 v23, v17  }
0xff: {  	v27 =	vadd.f32 $9.999999960e-13, v27;
	v22 =	vmul.f32 v25, v22;
	v21 =	vmul.f32 v26, v62  }
0x100: {  	v32 =	vld [tilespmem:s21+$0x4800];
	v20 =	vadd.f32 $-1.000000000e+00, v20;
	v63 =	vmul.f32 v23, v18  }
0x101: {  	v28 =	vadd.f32 $9.999999960e-13, v28;
	v24 =	vmul.f32 v27, v24;
	v33 =	vpop (erf);
	vm1 =	vgt.f32 v21, v22  }
0x102: {  	v34 =	vld [tilespmem:s21+$0x4A00];
	v35 =	vmul.f32 v23, v19;
	v20 =	vmul.f32 v33, v20;
	v21 =	vsel vm1, v21, v22  }
0x103: {  	v25 =	vadd.f32 $9.999999960e-13, v63;
	v28 =	vmul.f32 v28, v29;
	vm2 =	vgt.f32 v24, v21  }
0x104: {  	v36 =	vmul.f32 v20, v20;
	v21 =	vsel vm2, v24, v21  }
0x105: {  	v37 =	vmul.f32 v25, v32;
	v22 =	vadd.f32 $9.999999960e-13, v35;
	vm3 =	vgt.f32 v28, v21  }
0x106: {  	v39 =	vsel vm1, $0x1, v1;
	v38 =	vmul.f32 $1.111111120e-01, v36;
	v21 =	vsel vm3, v28, v21  }
0x107: {  	v22 =	vmul.f32 v22, v34;
	v26 =	vsel vm2, $0x2, v39;
	vm14 =	vgt.f32 v37, v21  }
0x108: {  	v26 =	vsel vm3, $0x3, v26;
	v25 =	vadd.f32 $1.428571490e-01, v38;
	v21 =	vsel vm14, v37, v21  }
0x109: {  	v40 =	vsel vm14, $0x4, v26;
	vm15 =	vgt.f32 v22, v21  }
0x10a: {  	v41 =	vmul.f32 v25, v36;
	v22 =	vsel vm15, $0x5, v40  }
0x10b: {  	v42 =	vmul.u32 $0xC, v3;
	v43 =	vadd.s32 v6, v22  }
0x10c: {  	v22 =	vshll.u32 v22, $0x1;
	v21 =	vadd.f32 $2.000000030e-01, v41  }
0x10d: {  	v7 =	vmul.f32 v59, v7;
	v8 =	vmul.f32 v60, v8;
	v44 =	vadd.s32 v42, v22  }
0x10e: {  	v47 =	vor.u32 $0x1, v44;
	v45 =	vmul.f32 v21, v36  }
0x10f: {  	v3 =	vmul.u32 $0x7, v3;
	v5 =	vld.idx.msk [tilespmem:v5+s2+$0x0], $0xffff;
	v46 =	vmul.f32 v16, v9;
	v7 =	vadd.f32 v8, v7  }
0x110: {  	v14 =	vadd.f32 $3.333333430e-01, v45;
	v49 =	vld.idx.msk [tilespmem:v43+s12+$0x0], $0xffff  }
0x111: {  	v4 =	vld.idx.msk [tilespmem:v4+s2+$0x0], $0xffff;
	v58 =	vadd.s32 $0x1, v3;
	v48 =	vmul.f32 v17, v10;
	v7 =	vadd.f32 v7, v46  }
0x112: {  	v15 =	vshra.s32 v15, $0x17;
	v50 =	vsel vm0, $0xFFFFFF82, v2;
	v13 =	vld.idx.msk [tilespmem:v44+s11+$0x0], $0xffff;
	v14 =	vmul.f32 v14, v36  }
0x113: {  	v51 =	vmul.f32 v18, v11;
	v7 =	vadd.f32 v7, v48;
	v52 =	vadd.s32 v15, v50;
	v9 =	vld.idx.msk [tilespmem:v47+s11+$0x0], $0xffff  }
0x114: {  	v11 =	vcvt.s32.f32 v52;
	v53 =	vadd.f32 v20, v20;
	v14 =	vadd.f32 $1.000000000e+00, v14  }
0x115: {  	v7 =	vadd.f32 v7, v51;
	v54 =	vmul.f32 v19, v12;
	v56 =	vsub.f32 $1.000000000e+00, v49  }
0x116: {  	v61 =	vadd.s32 $0x3, v3;
	v11 =	vmul.f32 $6.931471820e-01, v11;
	v55 =	vmul.f32 v14, v53  }
0x117: {  	v7 =	vadd.f32 v7, v54;
	v57 =	vmul.f32 v13, v49;
	v4 =	vmul.f32 v4, v56  }
0x118: {  	v60 =	vadd.s32 $0x2, v3;
	v5 =	vmul.f32 v5, v56;
	v59 =	vmul.f32 v9, v49  }
0x119: {  	v7 =	vmul.f32 v7, v23;
	v6 =	vld.idx.msk [tilespmem:v43+s13+$0x0], $0xffff;
	v11 =	vadd.f32 v55, v11;
	v4 =	vadd.f32 v4, v57  }
0x11a: {  	v62 =	vadd.s32 $0x4, v3;
	v5 =	vadd.f32 v5, v59  }
0x11b: {  	v63 =	vadd.s32 $0x5, v3;
	v7 =	vsub.f32 v7, v11;
	[tilespmem:v3+s17+$0x0] =	vst.idx.msk $0xffff, v4  }
0x11c: {  	v3 =	vadd.s32 $0x6, v3;
	[tilespmem:v58+s17+$0x0] =	vst.idx.msk $0xffff, v5  }
0x11d: {  	[tilespmem:v60+s17+$0x0] =	vst.idx.msk $0xffff, v7  }
0x11e: {  	[tilespmem:v61+s17+$0x0] =	vst.idx.msk $0xffff, v6  }
0x11f: {  	s19 =	sadd.s32 $0x1, s19;
	[tilespmem:v62+s17+$0x0] =	vst.idx.msk $0xffff, v13  }
0x120: {  	p0 =	sne.s32 s19, s10;
	[tilespmem:v63+s17+$0x0] =	vst.idx.msk $0xffff, v9  }
.Ltmp1:
0x121: {  	[tilespmem:v3+s17+$0x0] =	vst.idx.msk $0xffff, v49;
	(pc) =	sbr.rel @p0 .LBB2_1-.Ltmp1, $4  }
0x122: {  	[hbm4b:s9+s2] =	stream.linear.scatter [tilespmem:s17], [sflag:$0x2], $0xE00, $0x38;
	[tilespmem:$0x5A00] =	vst v63  }
0x123: {  	_ =	swait.ge [sflag:s18], $0xE00  }
0x124: {  	[sflag:s18] =	ssyncset.done $0x0  }
0x125: {  	[sflag:s18] =	ssyncadd.s32 $0xFFFFF200  }
0x126: {  	_ =	sfence.sel $0x180000  }
0x127: {  	[bflag:$0x0] =	sbarrier.arrive $0xFFFF  }
0x128: {  	p0 =	sne.s32 s1, $0x0;
	_ =	strace $0x90000047  }
0x129: {  	s0 =	sadd.s32 @!p0 $0x100000, s0;
	[bflag:$0x2] =	sbarrier.arrive $0xFFFF  }
0x12a: {  	[sflag:s0] =	ssyncadd.tile.s32 @!p0 $0x1;
	_ =	shalt  }
.Lfunc_end2:
_tile_overlayer_lowered:
.L_overlay_start_2:
0x12b: {  	(tag) =	ssettag $0x2  }
0x12c: {  	s0 =	rddreg [dreg:$0x0];
	s2 =	stileid.u32  }
0x12d: {  	s1 =	rddreg [dreg:$0x1];
	p0 =	sne.s32 s2, $0x0  }
0x12e: {  	s3 =	rddreg [dreg:$0x2];
	[bflag:$0x3] =	sbarrier.arrive $0xFFFF;
	s2 =	simm.s32 @!p0 $0x1C02  }
0x12f: {  	[timem:s3], [sflag:s2] =	dma.local @!p0 [hbm:s0], s1  }
0x130: {  	s0 =	simm.s32 @!p0 $0x2  }
0x131: {  	_ =	swait.ge @!p0 [sflag:s0], s1  }
0x132: {  	s1 =	ssub.s32 @!p0 $0x0, s1;
	[sflag:s0] =	ssyncset.done @!p0 $0x0  }
0x133: {  	[sflag:s0] =	ssyncadd.s32 @!p0 s1  }
0x134: {  	[bflag:$0x3] =	sbarrier.arrive $0xFFFF  }
0x135: {  	_ =	shalt  }

</sc_bundles>
